<compile_context>
chip_gen: v7x
topology: tpu7x:2x2x1
jax: 0.10.2.dev20260603
libtpu: 0.0.44.dev20260713+nightly
codegen_flags: <defaults>
</compile_context>

<pallas_src>
import functools

import jax
import jax.numpy as jnp
from jax import lax
from jax.experimental import pallas as pl
from jax.experimental.pallas import tpu as pltpu
from jax.experimental.pallas import tpu_sc as plsc

N = 10000
E = 320000
D = 128

NC = 2
NS = 16
NW = NC * NS
EPW = E // NW
CHUNK = 128
NCHUNK = 80
HALF = NCHUNK // 2
EPAD = NW * NCHUNK * CHUNK
NPAD = 10112
RPT = NPAD // NS

@functools.cache
def _mesh():
    return plsc.VectorSubcoreMesh(
        core_axis_name="c", subcore_axis_name="s", num_cores=NC, num_subcores=NS
    )



def _deg_body(dst2d, zeros_hbm, out, idx_v, ones_v, acc):
    c = lax.axis_index("c")
    s = lax.axis_index("s")
    wid = c * NS + s
    pltpu.sync_copy(dst2d.at[wid], idx_v)
    ones = jnp.ones((16,), jnp.float32)

    def obody(i, carry):
        r = i // (D // 16)
        k = i % (D // 16)
        ones_v[r, pl.ds(k * 16, 16)] = ones
        return carry

    lax.fori_loop(0, CHUNK * (D // 16), obody, 0)
    pltpu.sync_copy(zeros_hbm.at[pl.ds(s * RPT, RPT)], acc.at[pl.ds(s * RPT, RPT)])
    plsc.subcore_barrier()

    def body(j, carry):
        pltpu.sync_copy(ones_v, acc.at[idx_v.at[j]], add=True)
        return carry

    lax.fori_loop(0, NCHUNK, body, 0)
    plsc.subcore_barrier()
    pltpu.sync_copy(acc.at[pl.ds(s * RPT, RPT)], out.at[c, pl.ds(s * RPT, RPT)])


@functools.cache
def _deg_kernel():
    return pl.kernel(
        _deg_body,
        out_type=jax.ShapeDtypeStruct((NC, NPAD, D), jnp.float32),
        mesh=_mesh(),
        scratch_types=[
            pltpu.VMEM((NCHUNK, CHUNK), jnp.int32),
            pltpu.VMEM((CHUNK, D), jnp.float32),
            pltpu.VMEM_SHARED((NPAD, D), jnp.float32),
        ],
    )


def _agg_body(y, src2d, dst2d, zeros_hbm, out,
              sidx_v, didx_v, rows0, rows1, sem0, sem1, acc):
    c = lax.axis_index("c")
    s = lax.axis_index("s")
    wid = c * NS + s
    pltpu.sync_copy(zeros_hbm.at[pl.ds(s * RPT, RPT)], acc.at[pl.ds(s * RPT, RPT)])
    plsc.subcore_barrier()

    for h in range(2):
        pltpu.sync_copy(src2d.at[wid, pl.ds(h * HALF, HALF)], sidx_v)
        pltpu.sync_copy(dst2d.at[wid, pl.ds(h * HALF, HALF)], didx_v)
        pltpu.async_copy(y.at[sidx_v.at[0]], rows0, sem0)
        pltpu.async_copy(y.at[sidx_v.at[1]], rows1, sem1)

        def body(i, carry):
            j0 = 2 * i
            pltpu.make_async_copy(y.at[sidx_v.at[j0]], rows0, sem0).wait()
            pltpu.sync_copy(rows0, acc.at[didx_v.at[j0]], add=True)

            @pl.when(j0 + 2 < HALF)
            def _():
                pltpu.async_copy(y.at[sidx_v.at[j0 + 2]], rows0, sem0)

            j1 = j0 + 1
            pltpu.make_async_copy(y.at[sidx_v.at[j1]], rows1, sem1).wait()
            pltpu.sync_copy(rows1, acc.at[didx_v.at[j1]], add=True)

            @pl.when(j1 + 2 < HALF)
            def _():
                pltpu.async_copy(y.at[sidx_v.at[j1 + 2]], rows1, sem1)

            return carry

        lax.fori_loop(0, HALF // 2, body, 0)
    plsc.subcore_barrier()
    pltpu.sync_copy(acc.at[pl.ds(s * RPT, RPT)], out.at[c, pl.ds(s * RPT, RPT)])


@functools.cache
def _agg_kernel():
    return pl.kernel(
        _agg_body,
        out_type=jax.ShapeDtypeStruct((NC, NPAD, D), jnp.float32),
        mesh=_mesh(),
        scratch_types=[
            pltpu.VMEM((HALF, CHUNK), jnp.int32),
            pltpu.VMEM((HALF, CHUNK), jnp.int32),
            pltpu.VMEM((CHUNK, D), jnp.float32),
            pltpu.VMEM((CHUNK, D), jnp.float32),
            pltpu.SemaphoreType.DMA,
            pltpu.SemaphoreType.DMA,
            pltpu.VMEM_SHARED((NPAD, D), jnp.float32),
        ],
    )



_BR = 2528
_GRID = NPAD // _BR


def _matmul_body(x_ref, w_ref, xw_ref):
    xw_ref[...] = jnp.dot(x_ref[...], w_ref[...],
                          preferred_element_type=jnp.float32)


def _matmul(x, W):
    return pl.pallas_call(
        _matmul_body,
        grid=(_GRID,),
        in_specs=[
            pl.BlockSpec((_BR, D), lambda i: (i, 0)),
            pl.BlockSpec((D, D), lambda i: (0, 0)),
        ],
        out_specs=pl.BlockSpec((_BR, D), lambda i: (i, 0)),
        out_shape=jax.ShapeDtypeStruct((NPAD, D), jnp.float32),
    )(x, W)


def _scale_body(xw_ref, degp_ref, y_ref, dis_ref):
    deg = degp_ref[0, :, :1] + degp_ref[1, :, :1] + 1.0
    dis = lax.rsqrt(deg)
    y_ref[...] = xw_ref[...] * dis
    dis_ref[...] = jnp.broadcast_to(dis, (_BR, 16))


def _first_layer(xw, degp):
    return pl.pallas_call(
        _scale_body,
        grid=(_GRID,),
        in_specs=[
            pl.BlockSpec((_BR, D), lambda i: (i, 0)),
            pl.BlockSpec((NC, _BR, D), lambda i: (0, i, 0)),
        ],
        out_specs=[
            pl.BlockSpec((_BR, D), lambda i: (i, 0)),
            pl.BlockSpec((_BR, 16), lambda i: (i, 0)),
        ],
        out_shape=[
            jax.ShapeDtypeStruct((NPAD, D), jnp.float32),
            jax.ShapeDtypeStruct((NPAD, 16), jnp.float32),
        ],
    )(xw, degp)


def _mid_body(p_ref, y1_ref, dis_ref, b1_ref, w2_ref, y2_ref):
    agg = p_ref[0] + p_ref[1] + y1_ref[...]
    dcol = dis_ref[:, :1]
    h = jnp.maximum(agg * dcol + b1_ref[...], 0.0)
    y2 = jnp.dot(h, w2_ref[...], preferred_element_type=jnp.float32) * dcol
    row = pl.program_id(0) * _BR + lax.broadcasted_iota(jnp.int32, (_BR, 1), 0)
    y2_ref[...] = jnp.where(row < N, y2, 0.0)


def _mid_layer(p, y1, dis, b1, W2):
    return pl.pallas_call(
        _mid_body,
        grid=(_GRID,),
        in_specs=[
            pl.BlockSpec((NC, _BR, D), lambda i: (0, i, 0)),
            pl.BlockSpec((_BR, D), lambda i: (i, 0)),
            pl.BlockSpec((_BR, 16), lambda i: (i, 0)),
            pl.BlockSpec((1, D), lambda i: (0, 0)),
            pl.BlockSpec((D, D), lambda i: (0, 0)),
        ],
        out_specs=pl.BlockSpec((_BR, D), lambda i: (i, 0)),
        out_shape=jax.ShapeDtypeStruct((NPAD, D), jnp.float32),
    )(p, y1, dis, b1, W2)


def _final_body(q_ref, y2_ref, dis_ref, b2_ref, out_ref):
    agg = q_ref[0] + q_ref[1] + y2_ref[...]
    out_ref[...] = jnp.maximum(agg * dis_ref[:, :1] + b2_ref[...], 0.0)


def _final_layer(q, y2, dis, b2):
    return pl.pallas_call(
        _final_body,
        grid=(_GRID,),
        in_specs=[
            pl.BlockSpec((NC, _BR, D), lambda i: (0, i, 0)),
            pl.BlockSpec((_BR, D), lambda i: (i, 0)),
            pl.BlockSpec((_BR, 16), lambda i: (i, 0)),
            pl.BlockSpec((1, D), lambda i: (0, 0)),
        ],
        out_specs=pl.BlockSpec((_BR, D), lambda i: (i, 0)),
        out_shape=jax.ShapeDtypeStruct((NPAD, D), jnp.float32),
    )(q, y2, dis, b2)



def kernel(x, edge_index, W1, b1, W2, b2):
    npad_e = EPAD - E
    pidx = jnp.arange(npad_e, dtype=jnp.int32)
    pad_trash = N + pidx % (NPAD - N)
    src2d = jnp.concatenate(
        [edge_index[0].astype(jnp.int32), pad_trash]
    ).reshape(NW, NCHUNK, CHUNK)
    dst2d = jnp.concatenate(
        [edge_index[1].astype(jnp.int32), pidx % N]
    ).reshape(NW, NCHUNK, CHUNK)
    dst2d_deg = jnp.concatenate(
        [edge_index[1].astype(jnp.int32), pad_trash]
    ).reshape(NW, NCHUNK, CHUNK)
    xp = jnp.pad(x, ((0, NPAD - N), (0, 0)))
    zeros128 = jnp.zeros((NPAD, D), jnp.float32)
    b1r = b1.reshape(1, D)
    b2r = b2.reshape(1, D)

    degp = _deg_kernel()(dst2d_deg, zeros128)
    xw1 = _matmul(xp, W1)
    y1, dis = _first_layer(xw1, degp)
    p = _agg_kernel()(y1, src2d, dst2d, zeros128)
    y2 = _mid_layer(p, y1, dis, b1r, W2)
    q = _agg_kernel()(y2, src2d, dst2d, zeros128)
    return _final_layer(q, y2, dis, b2r)[:N]

# --- scband reference (transcript-rebuilt; emitter-appended) ---
"""Pipeline reference for scband-gcn-22857815949368 (READ-ONLY COPY).

The authoritative reference and input builder live on the scoring server;
editing this copy changes nothing except your own understanding.
"""

import jax, jax.numpy as jnp
import numpy as np

N_NODES = 10000
N_EDGES = 320000
D = 128


def _gcn_conv(x, src, dst, W, b, num_nodes):
    # PyG GCNConv: add self-loops, symmetric normalization, aggregate at dst
    loop = jnp.arange(num_nodes, dtype=src.dtype)
    s = jnp.concatenate([src, loop])
    d = jnp.concatenate([dst, loop])
    deg = jnp.zeros((num_nodes,), dtype=x.dtype).at[d].add(1.0)
    deg_inv_sqrt = jnp.where(deg > 0, jax.lax.rsqrt(deg), 0.0)
    norm = deg_inv_sqrt[s] * deg_inv_sqrt[d]
    xw = x @ W
    msgs = xw[s] * norm[:, None]
    out = jnp.zeros((num_nodes, W.shape[1]), dtype=x.dtype).at[d].add(msgs)
    return out + b


def setup_inputs(seed: int = 0) -> dict:
    key = jax.random.key(seed)
    k1, k2, k3, k4, k5 = jax.random.split(key, 5)
    x = jax.random.normal(k1, (N_NODES, D), dtype=jnp.float32)
    edge_index = jax.random.randint(k2, (2, N_EDGES), 0, N_NODES, dtype=jnp.int64)
    glorot = float(np.sqrt(6.0 / (D + D)))
    W1 = jax.random.uniform(k3, (D, D), dtype=jnp.float32, minval=-glorot, maxval=glorot)
    b1 = jnp.zeros((D,), dtype=jnp.float32)
    W2 = jax.random.uniform(k4, (D, D), dtype=jnp.float32, minval=-glorot, maxval=glorot)
    b2 = jnp.zeros((D,), dtype=jnp.float32)
    return {"x": x, "edge_index": edge_index, "W1": W1, "b1": b1, "W2": W2, "b2": b2}


def reference(x, edge_index, W1, b1, W2, b2):
    num_nodes = x.shape[0]
    src = edge_index[0]
    dst = edge_index[1]
    h = _gcn_conv(x, src, dst, W1, b1, num_nodes)
    h = jax.nn.relu(h)
    # dropout p=0.0 -> identity
    h = _gcn_conv(h, src, dst, W2, b2, num_nodes)
    h = jax.nn.relu(h)
    return h

if __name__ == "__main__":
    import jax
    _d = setup_inputs()
    print(jax.jit(kernel)(*tuple(_d.values())))

</pallas_src>

<mosaic_0001>
#map = affine_map<(d0, d1) -> (0, 0, 0)>
#map1 = affine_map<(d0, d1) -> (0, 0)>
module attributes {stable_mosaic.version = 14 : i64} {
  func.func @_deg_body(%arg0: i32, %arg1: i32, %arg2: memref<32x80x128xi32, #tpu.memory_space<hbm>>, %arg3: memref<10112x128xf32, #tpu.memory_space<hbm>>, %arg4: memref<2x10112x128xf32, #tpu.memory_space<hbm>>, %arg5: memref<80x128xi32, #tpu.memory_space<vmem>>, %arg6: memref<128x128xf32, #tpu.memory_space<vmem>>, %arg7: memref<10112x128xf32, #tpu.memory_space<vmem_shared>>) attributes {dimension_semantics = [#tpu.dimension_semantics<core_parallel>, #tpu.dimension_semantics<subcore_parallel>], iteration_bounds = array<i64: 2, 16>, scalar_prefetch = 0 : i64, scratch_operands = 3 : i64, tpu.core_type = #tpu.core_type<sc_vector_subcore>, window_params = [{transform_indices = #map}, {transform_indices = #map1}, {transform_indices = #map}]} {
    %mul3A = arith.constant 16 : i32
    %mul3A_0 = arith.muli %arg0, %mul3A : i32
    %add3A = arith.addi %mul3A_0, %arg1 : i32
    "tpu.region"() ({
      %run_scoped3A = tpu.sem_alloc : memref<!tpu.dma_semaphore, #tpu.memory_space<semaphore_mem>>
      %dma_start3A = arith.constant 0 : i32
      %dma_start3A_22 = arith.constant 0 : i32
      %dma_start3A_23 = tpu.memref_slice %arg2[%add3A, %dma_start3A, %dma_start3A_22] : memref<32x80x128xi32, #tpu.memory_space<hbm>> -> memref<1x80x128xi32, #tpu.memory_space<hbm>>
      %dma_start3A_24 = tpu.memref_squeeze %dma_start3A_23 : memref<1x80x128xi32, #tpu.memory_space<hbm>> -> memref<80x128xi32, #tpu.memory_space<hbm>>
      %dma_start3A_25 = arith.constant 0 : i32
      %dma_start3A_26 = arith.constant 0 : i32
      %dma_start3A_27 = tpu.memref_slice %arg2[%add3A, %dma_start3A_25, %dma_start3A_26] : memref<32x80x128xi32, #tpu.memory_space<hbm>> -> memref<1x80x128xi32, #tpu.memory_space<hbm>>
      %dma_start3A_28 = tpu.memref_squeeze %dma_start3A_27 : memref<1x80x128xi32, #tpu.memory_space<hbm>> -> memref<80x128xi32, #tpu.memory_space<hbm>>
      tpu.enqueue_dma source(%dma_start3A_28 : memref<80x128xi32, #tpu.memory_space<hbm>>) target(%arg5 : memref<80x128xi32, #tpu.memory_space<vmem>>) target_semaphore(%run_scoped3A : memref<!tpu.dma_semaphore, #tpu.memory_space<semaphore_mem>>)
      %dma_wait3A = arith.constant 0 : i32
      %dma_wait3A_29 = arith.constant 0 : i32
      %dma_wait3A_30 = tpu.memref_slice %arg2[%add3A, %dma_wait3A, %dma_wait3A_29] : memref<32x80x128xi32, #tpu.memory_space<hbm>> -> memref<1x80x128xi32, #tpu.memory_space<hbm>>
      %dma_wait3A_31 = tpu.memref_squeeze %dma_wait3A_30 : memref<1x80x128xi32, #tpu.memory_space<hbm>> -> memref<80x128xi32, #tpu.memory_space<hbm>>
      %dma_wait3A_32 = arith.constant 0 : i32
      %dma_wait3A_33 = arith.constant 0 : i32
      %dma_wait3A_34 = tpu.memref_slice %arg2[%add3A, %dma_wait3A_32, %dma_wait3A_33] : memref<32x80x128xi32, #tpu.memory_space<hbm>> -> memref<1x80x128xi32, #tpu.memory_space<hbm>>
      %dma_wait3A_35 = tpu.memref_squeeze %dma_wait3A_34 : memref<1x80x128xi32, #tpu.memory_space<hbm>> -> memref<80x128xi32, #tpu.memory_space<hbm>>
      tpu.wait_dma2 semaphore(%run_scoped3A : memref<!tpu.dma_semaphore, #tpu.memory_space<semaphore_mem>>) src(%dma_wait3A_35 : memref<80x128xi32, #tpu.memory_space<hbm>>) dst(%arg5 : memref<80x128xi32, #tpu.memory_space<vmem>>)
      tpu.yield
    }) : () -> ()
    %broadcast_in_dim3A = arith.constant 1.000000e+00 : f32
    %broadcast_in_dim3A_1 = vector.broadcast %broadcast_in_dim3A : f32 to vector<16xf32>
    %scan3A = arith.constant 0 : i32
    %scan3A_2 = arith.constant 0 : i32
    %scan3A_3 = arith.constant 1024 : i32
    %scan3A_4 = arith.addi %scan3A_2, %scan3A_3 : i32
    %scan3A_5 = arith.constant 1 : i32
    scf.for %scan3A_22 = %scan3A_2 to %scan3A_4 step %scan3A_5  : i32 {
      %jit3A = arith.constant 8 : i32
      %div3A = arith.divsi %scan3A_22, %jit3A : i32
      %sign3A = arith.constant 0 : i32
      %sign3A_23 = arith.cmpi sgt, %scan3A_22, %sign3A : i32
      %sign3A_24 = arith.extui %sign3A_23 : i1 to i32
      %sign3A_25 = arith.constant 0 : i32
      %sign3A_26 = arith.cmpi slt, %scan3A_22, %sign3A_25 : i32
      %sign3A_27 = arith.extui %sign3A_26 : i1 to i32
      %sign3A_28 = arith.subi %sign3A_24, %sign3A_27 : i32
      %sign3A_29 = arith.constant 0 : i32
      %sign3A_30 = arith.cmpi sgt, %jit3A, %sign3A_29 : i32
      %sign3A_31 = arith.extui %sign3A_30 : i1 to i32
      %sign3A_32 = arith.constant 0 : i32
      %sign3A_33 = arith.cmpi slt, %jit3A, %sign3A_32 : i32
      %sign3A_34 = arith.extui %sign3A_33 : i1 to i32
      %sign3A_35 = arith.subi %sign3A_31, %sign3A_34 : i32
      %ne3A = arith.cmpi ne, %sign3A_28, %sign3A_35 : i32
      %rem3A = arith.remsi %scan3A_22, %jit3A : i32
      %ne3A_36 = arith.constant 0 : i32
      %ne3A_37 = arith.cmpi ne, %rem3A, %ne3A_36 : i32
      %and3A = arith.andi %ne3A, %ne3A_37 : i1
      %sub3A = arith.constant 1 : i32
      %sub3A_38 = arith.subi %div3A, %sub3A : i32
      %select_n3A = arith.select %and3A, %sub3A_38, %div3A : i32
      %jit3A_39 = arith.constant 8 : i32
      %eq3A = arith.constant 0 : i32
      %eq3A_40 = arith.cmpi eq, %jit3A_39, %eq3A : i32
      %jit3A_41 = arith.constant 1 : i32
      %select_n3A_42 = arith.select %eq3A_40, %jit3A_41, %jit3A_39 : i32
      %rem3A_43 = arith.remsi %scan3A_22, %select_n3A_42 : i32
      %ne3A_44 = arith.constant 0 : i32
      %ne3A_45 = arith.cmpi ne, %rem3A_43, %ne3A_44 : i32
      %lt3A = arith.constant 0 : i32
      %lt3A_46 = arith.cmpi slt, %rem3A_43, %lt3A : i32
      %lt3A_47 = arith.constant 0 : i32
      %lt3A_48 = arith.cmpi slt, %select_n3A_42, %lt3A_47 : i32
      %ne3A_49 = arith.xori %lt3A_46, %lt3A_48 : i1
      %and3A_50 = arith.andi %ne3A_49, %ne3A_45 : i1
      %add3A_51 = arith.addi %rem3A_43, %select_n3A_42 : i32
      %select_n3A_52 = arith.select %and3A_50, %add3A_51, %rem3A_43 : i32
      %mul3A_53 = arith.constant 16 : i32
      %mul3A_54 = arith.muli %select_n3A_52, %mul3A_53 : i32
      %swap3A = arith.index_cast %select_n3A : i32 to index
      %swap3A_55 = arith.index_cast %mul3A_54 : i32 to index
      %swap3A_56 = tpu.vector_load %arg6[%swap3A, %swap3A_55] {strides = array<i32>} : memref<128x128xf32, #tpu.memory_space<vmem>>, vector<1x16xf32>,
      %swap3A_57 = vector.shape_cast %swap3A_56 : vector<1x16xf32> to vector<16xf32>
      %swap3A_58 = vector.shape_cast %broadcast_in_dim3A_1 : vector<16xf32> to vector<1x16xf32>
      tpu.vector_store %arg6[%swap3A, %swap3A_55], %swap3A_58 {strides = array<i32>} : memref<128x128xf32, #tpu.memory_space<vmem>>, vector<1x16xf32>,
    }
    %scan3A_6 = arith.constant 1024 : i32
    %mul3A_7 = arith.constant 632 : i32
    %mul3A_8 = arith.muli %arg1, %mul3A_7 : i32
    %mul3A_9 = arith.constant 632 : i32
    %mul3A_10 = arith.muli %arg1, %mul3A_9 : i32
    "tpu.region"() ({
      %run_scoped3A = tpu.sem_alloc : memref<!tpu.dma_semaphore, #tpu.memory_space<semaphore_mem>>
      %dma_start3A = arith.constant 0 : i32
      %dma_start3A_22 = tpu.memref_slice %arg7[%mul3A_10, %dma_start3A] : memref<10112x128xf32, #tpu.memory_space<vmem_shared>> -> memref<632x128xf32, #tpu.memory_space<vmem_shared>>
      %dma_start3A_23 = arith.constant 0 : i32
      %dma_start3A_24 = tpu.memref_slice %arg3[%mul3A_8, %dma_start3A_23] : memref<10112x128xf32, #tpu.memory_space<hbm>> -> memref<632x128xf32, #tpu.memory_space<hbm>>
      tpu.enqueue_dma source(%dma_start3A_24 : memref<632x128xf32, #tpu.memory_space<hbm>>) target(%dma_start3A_22 : memref<632x128xf32, #tpu.memory_space<vmem_shared>>) target_semaphore(%run_scoped3A : memref<!tpu.dma_semaphore, #tpu.memory_space<semaphore_mem>>)
      %dma_wait3A = arith.constant 0 : i32
      %dma_wait3A_25 = tpu.memref_slice %arg7[%mul3A_10, %dma_wait3A] : memref<10112x128xf32, #tpu.memory_space<vmem_shared>> -> memref<632x128xf32, #tpu.memory_space<vmem_shared>>
      %dma_wait3A_26 = arith.constant 0 : i32
      %dma_wait3A_27 = tpu.memref_slice %arg3[%mul3A_8, %dma_wait3A_26] : memref<10112x128xf32, #tpu.memory_space<hbm>> -> memref<632x128xf32, #tpu.memory_space<hbm>>
      tpu.wait_dma2 semaphore(%run_scoped3A : memref<!tpu.dma_semaphore, #tpu.memory_space<semaphore_mem>>) src(%dma_wait3A_27 : memref<632x128xf32, #tpu.memory_space<hbm>>) dst(%dma_wait3A_25 : memref<632x128xf32, #tpu.memory_space<vmem_shared>>)
      tpu.yield
    }) : () -> ()
    %barrier3A = arith.constant 0 : index
    tpu.barrier barrier_id(%barrier3A)
    %scan3A_11 = arith.constant 0 : i32
    %scan3A_12 = arith.constant 0 : i32
    %scan3A_13 = arith.constant 80 : i32
    %scan3A_14 = arith.addi %scan3A_12, %scan3A_13 : i32
    %scan3A_15 = arith.constant 1 : i32
    scf.for %scan3A_22 = %scan3A_12 to %scan3A_14 step %scan3A_15  : i32 {
      "tpu.region"() ({
        %run_scoped3A = tpu.sem_alloc : memref<!tpu.dma_semaphore, #tpu.memory_space<semaphore_mem>>
        %dma_start3A = arith.constant 0 : i32
        %dma_start3A_23 = tpu.memref_slice %arg5[%scan3A_22, %dma_start3A] : memref<80x128xi32, #tpu.memory_space<vmem>> -> memref<1x128xi32, #tpu.memory_space<vmem>>
        %dma_start3A_24 = tpu.memref_squeeze %dma_start3A_23 : memref<1x128xi32, #tpu.memory_space<vmem>> -> memref<128xi32, #tpu.memory_space<vmem>>
        %dma_start3A_25 = arith.constant 0 : i32
        %dma_start3A_26 = arith.constant 0 : i32
        %dma_start3A_27 = tpu.memref_slice %arg7[%dma_start3A_25, %dma_start3A_26] : memref<10112x128xf32, #tpu.memory_space<vmem_shared>> -> memref<10112x128xf32, #tpu.memory_space<vmem_shared>>
        tpu.enqueue_indirect_dma source(%arg6 : memref<128x128xf32, #tpu.memory_space<vmem>>) target(%dma_start3A_27 : memref<10112x128xf32, #tpu.memory_space<vmem_shared>>) offsets(%dma_start3A_24 : memref<128xi32, #tpu.memory_space<vmem>>) semaphore(%run_scoped3A : memref<!tpu.dma_semaphore, #tpu.memory_space<semaphore_mem>>) {add = true}
        %dma_wait3A = arith.constant 0 : i32
        %dma_wait3A_28 = tpu.memref_slice %arg5[%scan3A_22, %dma_wait3A] : memref<80x128xi32, #tpu.memory_space<vmem>> -> memref<1x128xi32, #tpu.memory_space<vmem>>
        %dma_wait3A_29 = tpu.memref_squeeze %dma_wait3A_28 : memref<1x128xi32, #tpu.memory_space<vmem>> -> memref<128xi32, #tpu.memory_space<vmem>>
        %dma_wait3A_30 = arith.constant 0 : i32
        %dma_wait3A_31 = arith.constant 0 : i32
        %dma_wait3A_32 = tpu.memref_slice %arg7[%dma_wait3A_30, %dma_wait3A_31] : memref<10112x128xf32, #tpu.memory_space<vmem_shared>> -> memref<10112x128xf32, #tpu.memory_space<vmem_shared>>
        tpu.wait_indirect_dma semaphore(%run_scoped3A : memref<!tpu.dma_semaphore, #tpu.memory_space<semaphore_mem>>) src(%arg6 : memref<128x128xf32, #tpu.memory_space<vmem>>) dst(%dma_wait3A_32 : memref<10112x128xf32, #tpu.memory_space<vmem_shared>>)
        tpu.yield
      }) : () -> ()
    }
    %scan3A_16 = arith.constant 80 : i32
    %barrier3A_17 = arith.constant 0 : index
    tpu.barrier barrier_id(%barrier3A_17)
    %mul3A_18 = arith.constant 632 : i32
    %mul3A_19 = arith.muli %arg1, %mul3A_18 : i32
    %mul3A_20 = arith.constant 632 : i32
    %mul3A_21 = arith.muli %arg1, %mul3A_20 : i32
    "tpu.region"() ({
      %run_scoped3A = tpu.sem_alloc : memref<!tpu.dma_semaphore, #tpu.memory_space<semaphore_mem>>
      %dma_start3A = arith.constant 0 : i32
      %dma_start3A_22 = tpu.memref_slice %arg4[%arg0, %mul3A_21, %dma_start3A] : memref<2x10112x128xf32, #tpu.memory_space<hbm>> -> memref<1x632x128xf32, #tpu.memory_space<hbm>>
      %dma_start3A_23 = tpu.memref_squeeze %dma_start3A_22 : memref<1x632x128xf32, #tpu.memory_space<hbm>> -> memref<632x128xf32, #tpu.memory_space<hbm>>
      %dma_start3A_24 = arith.constant 0 : i32
      %dma_start3A_25 = tpu.memref_slice %arg7[%mul3A_19, %dma_start3A_24] : memref<10112x128xf32, #tpu.memory_space<vmem_shared>> -> memref<632x128xf32, #tpu.memory_space<vmem_shared>>
      tpu.enqueue_dma source(%dma_start3A_25 : memref<632x128xf32, #tpu.memory_space<vmem_shared>>) target(%dma_start3A_23 : memref<632x128xf32, #tpu.memory_space<hbm>>) target_semaphore(%run_scoped3A : memref<!tpu.dma_semaphore, #tpu.memory_space<semaphore_mem>>)
      %dma_wait3A = arith.constant 0 : i32
      %dma_wait3A_26 = tpu.memref_slice %arg4[%arg0, %mul3A_21, %dma_wait3A] : memref<2x10112x128xf32, #tpu.memory_space<hbm>> -> memref<1x632x128xf32, #tpu.memory_space<hbm>>
      %dma_wait3A_27 = tpu.memref_squeeze %dma_wait3A_26 : memref<1x632x128xf32, #tpu.memory_space<hbm>> -> memref<632x128xf32, #tpu.memory_space<hbm>>
      %dma_wait3A_28 = arith.constant 0 : i32
      %dma_wait3A_29 = tpu.memref_slice %arg7[%mul3A_19, %dma_wait3A_28] : memref<10112x128xf32, #tpu.memory_space<vmem_shared>> -> memref<632x128xf32, #tpu.memory_space<vmem_shared>>
      tpu.wait_dma2 semaphore(%run_scoped3A : memref<!tpu.dma_semaphore, #tpu.memory_space<semaphore_mem>>) src(%dma_wait3A_29 : memref<632x128xf32, #tpu.memory_space<vmem_shared>>) dst(%dma_wait3A_27 : memref<632x128xf32, #tpu.memory_space<hbm>>)
      tpu.yield
    }) : () -> ()
    return
  }
}

#map = affine_map<(d0, d1) -> (0, 0)>
#map1 = affine_map<(d0, d1) -> (0, 0, 0)>
module attributes {stable_mosaic.version = 14 : i64} {
  func.func @_agg_body(%arg0: i32, %arg1: i32, %arg2: memref<10112x128xf32, #tpu.memory_space<hbm>>, %arg3: memref<32x80x128xi32, #tpu.memory_space<hbm>>, %arg4: memref<32x80x128xi32, #tpu.memory_space<hbm>>, %arg5: memref<10112x128xf32, #tpu.memory_space<hbm>>, %arg6: memref<2x10112x128xf32, #tpu.memory_space<hbm>>, %arg7: memref<40x128xi32, #tpu.memory_space<vmem>>, %arg8: memref<40x128xi32, #tpu.memory_space<vmem>>, %arg9: memref<128x128xf32, #tpu.memory_space<vmem>>, %arg10: memref<128x128xf32, #tpu.memory_space<vmem>>, %arg11: memref<!tpu.dma_semaphore, #tpu.memory_space<semaphore_mem>>, %arg12: memref<!tpu.dma_semaphore, #tpu.memory_space<semaphore_mem>>, %arg13: memref<10112x128xf32, #tpu.memory_space<vmem_shared>>) attributes {dimension_semantics = [#tpu.dimension_semantics<core_parallel>, #tpu.dimension_semantics<subcore_parallel>], iteration_bounds = array<i64: 2, 16>, scalar_prefetch = 0 : i64, scratch_operands = 7 : i64, tpu.core_type = #tpu.core_type<sc_vector_subcore>, window_params = [{transform_indices = #map}, {transform_indices = #map1}, {transform_indices = #map1}, {transform_indices = #map}, {transform_indices = #map1}]} {
    %mul3A = arith.constant 16 : i32
    %mul3A_0 = arith.muli %arg0, %mul3A : i32
    %add3A = arith.addi %mul3A_0, %arg1 : i32
    %mul3A_1 = arith.constant 632 : i32
    %mul3A_2 = arith.muli %arg1, %mul3A_1 : i32
    %mul3A_3 = arith.constant 632 : i32
    %mul3A_4 = arith.muli %arg1, %mul3A_3 : i32
    "tpu.region"() ({
      %run_scoped3A = tpu.sem_alloc : memref<!tpu.dma_semaphore, #tpu.memory_space<semaphore_mem>>
      %dma_start3A_48 = arith.constant 0 : i32
      %dma_start3A_49 = tpu.memref_slice %arg13[%mul3A_4, %dma_start3A_48] : memref<10112x128xf32, #tpu.memory_space<vmem_shared>> -> memref<632x128xf32, #tpu.memory_space<vmem_shared>>
      %dma_start3A_50 = arith.constant 0 : i32
      %dma_start3A_51 = tpu.memref_slice %arg5[%mul3A_2, %dma_start3A_50] : memref<10112x128xf32, #tpu.memory_space<hbm>> -> memref<632x128xf32, #tpu.memory_space<hbm>>
      tpu.enqueue_dma source(%dma_start3A_51 : memref<632x128xf32, #tpu.memory_space<hbm>>) target(%dma_start3A_49 : memref<632x128xf32, #tpu.memory_space<vmem_shared>>) target_semaphore(%run_scoped3A : memref<!tpu.dma_semaphore, #tpu.memory_space<semaphore_mem>>)
      %dma_wait3A = arith.constant 0 : i32
      %dma_wait3A_52 = tpu.memref_slice %arg13[%mul3A_4, %dma_wait3A] : memref<10112x128xf32, #tpu.memory_space<vmem_shared>> -> memref<632x128xf32, #tpu.memory_space<vmem_shared>>
      %dma_wait3A_53 = arith.constant 0 : i32
      %dma_wait3A_54 = tpu.memref_slice %arg5[%mul3A_2, %dma_wait3A_53] : memref<10112x128xf32, #tpu.memory_space<hbm>> -> memref<632x128xf32, #tpu.memory_space<hbm>>
      tpu.wait_dma2 semaphore(%run_scoped3A : memref<!tpu.dma_semaphore, #tpu.memory_space<semaphore_mem>>) src(%dma_wait3A_54 : memref<632x128xf32, #tpu.memory_space<hbm>>) dst(%dma_wait3A_52 : memref<632x128xf32, #tpu.memory_space<vmem_shared>>)
      tpu.yield
    }) : () -> ()
    %barrier3A = arith.constant 0 : index
    tpu.barrier barrier_id(%barrier3A)
    "tpu.region"() ({
      %run_scoped3A = tpu.sem_alloc : memref<!tpu.dma_semaphore, #tpu.memory_space<semaphore_mem>>
      %dma_start3A_48 = arith.constant 0 : i32
      %dma_start3A_49 = arith.constant 0 : i32
      %dma_start3A_50 = tpu.memref_slice %arg3[%add3A, %dma_start3A_48, %dma_start3A_49] : memref<32x80x128xi32, #tpu.memory_space<hbm>> -> memref<1x40x128xi32, #tpu.memory_space<hbm>>
      %dma_start3A_51 = tpu.memref_squeeze %dma_start3A_50 : memref<1x40x128xi32, #tpu.memory_space<hbm>> -> memref<40x128xi32, #tpu.memory_space<hbm>>
      %dma_start3A_52 = arith.constant 0 : i32
      %dma_start3A_53 = arith.constant 0 : i32
      %dma_start3A_54 = tpu.memref_slice %arg3[%add3A, %dma_start3A_52, %dma_start3A_53] : memref<32x80x128xi32, #tpu.memory_space<hbm>> -> memref<1x40x128xi32, #tpu.memory_space<hbm>>
      %dma_start3A_55 = tpu.memref_squeeze %dma_start3A_54 : memref<1x40x128xi32, #tpu.memory_space<hbm>> -> memref<40x128xi32, #tpu.memory_space<hbm>>
      tpu.enqueue_dma source(%dma_start3A_55 : memref<40x128xi32, #tpu.memory_space<hbm>>) target(%arg7 : memref<40x128xi32, #tpu.memory_space<vmem>>) target_semaphore(%run_scoped3A : memref<!tpu.dma_semaphore, #tpu.memory_space<semaphore_mem>>)
      %dma_wait3A = arith.constant 0 : i32
      %dma_wait3A_56 = arith.constant 0 : i32
      %dma_wait3A_57 = tpu.memref_slice %arg3[%add3A, %dma_wait3A, %dma_wait3A_56] : memref<32x80x128xi32, #tpu.memory_space<hbm>> -> memref<1x40x128xi32, #tpu.memory_space<hbm>>
      %dma_wait3A_58 = tpu.memref_squeeze %dma_wait3A_57 : memref<1x40x128xi32, #tpu.memory_space<hbm>> -> memref<40x128xi32, #tpu.memory_space<hbm>>
      %dma_wait3A_59 = arith.constant 0 : i32
      %dma_wait3A_60 = arith.constant 0 : i32
      %dma_wait3A_61 = tpu.memref_slice %arg3[%add3A, %dma_wait3A_59, %dma_wait3A_60] : memref<32x80x128xi32, #tpu.memory_space<hbm>> -> memref<1x40x128xi32, #tpu.memory_space<hbm>>
      %dma_wait3A_62 = tpu.memref_squeeze %dma_wait3A_61 : memref<1x40x128xi32, #tpu.memory_space<hbm>> -> memref<40x128xi32, #tpu.memory_space<hbm>>
      tpu.wait_dma2 semaphore(%run_scoped3A : memref<!tpu.dma_semaphore, #tpu.memory_space<semaphore_mem>>) src(%dma_wait3A_62 : memref<40x128xi32, #tpu.memory_space<hbm>>) dst(%arg7 : memref<40x128xi32, #tpu.memory_space<vmem>>)
      tpu.yield
    }) : () -> ()
    "tpu.region"() ({
      %run_scoped3A = tpu.sem_alloc : memref<!tpu.dma_semaphore, #tpu.memory_space<semaphore_mem>>
      %dma_start3A_48 = arith.constant 0 : i32
      %dma_start3A_49 = arith.constant 0 : i32
      %dma_start3A_50 = tpu.memref_slice %arg4[%add3A, %dma_start3A_48, %dma_start3A_49] : memref<32x80x128xi32, #tpu.memory_space<hbm>> -> memref<1x40x128xi32, #tpu.memory_space<hbm>>
      %dma_start3A_51 = tpu.memref_squeeze %dma_start3A_50 : memref<1x40x128xi32, #tpu.memory_space<hbm>> -> memref<40x128xi32, #tpu.memory_space<hbm>>
      %dma_start3A_52 = arith.constant 0 : i32
      %dma_start3A_53 = arith.constant 0 : i32
      %dma_start3A_54 = tpu.memref_slice %arg4[%add3A, %dma_start3A_52, %dma_start3A_53] : memref<32x80x128xi32, #tpu.memory_space<hbm>> -> memref<1x40x128xi32, #tpu.memory_space<hbm>>
      %dma_start3A_55 = tpu.memref_squeeze %dma_start3A_54 : memref<1x40x128xi32, #tpu.memory_space<hbm>> -> memref<40x128xi32, #tpu.memory_space<hbm>>
      tpu.enqueue_dma source(%dma_start3A_55 : memref<40x128xi32, #tpu.memory_space<hbm>>) target(%arg8 : memref<40x128xi32, #tpu.memory_space<vmem>>) target_semaphore(%run_scoped3A : memref<!tpu.dma_semaphore, #tpu.memory_space<semaphore_mem>>)
      %dma_wait3A = arith.constant 0 : i32
      %dma_wait3A_56 = arith.constant 0 : i32
      %dma_wait3A_57 = tpu.memref_slice %arg4[%add3A, %dma_wait3A, %dma_wait3A_56] : memref<32x80x128xi32, #tpu.memory_space<hbm>> -> memref<1x40x128xi32, #tpu.memory_space<hbm>>
      %dma_wait3A_58 = tpu.memref_squeeze %dma_wait3A_57 : memref<1x40x128xi32, #tpu.memory_space<hbm>> -> memref<40x128xi32, #tpu.memory_space<hbm>>
      %dma_wait3A_59 = arith.constant 0 : i32
      %dma_wait3A_60 = arith.constant 0 : i32
      %dma_wait3A_61 = tpu.memref_slice %arg4[%add3A, %dma_wait3A_59, %dma_wait3A_60] : memref<32x80x128xi32, #tpu.memory_space<hbm>> -> memref<1x40x128xi32, #tpu.memory_space<hbm>>
      %dma_wait3A_62 = tpu.memref_squeeze %dma_wait3A_61 : memref<1x40x128xi32, #tpu.memory_space<hbm>> -> memref<40x128xi32, #tpu.memory_space<hbm>>
      tpu.wait_dma2 semaphore(%run_scoped3A : memref<!tpu.dma_semaphore, #tpu.memory_space<semaphore_mem>>) src(%dma_wait3A_62 : memref<40x128xi32, #tpu.memory_space<hbm>>) dst(%arg8 : memref<40x128xi32, #tpu.memory_space<vmem>>)
      tpu.yield
    }) : () -> ()
    %dma_start3A = arith.constant 0 : i32
    %dma_start3A_5 = arith.constant 0 : i32
    %dma_start3A_6 = tpu.memref_slice %arg7[%dma_start3A, %dma_start3A_5] : memref<40x128xi32, #tpu.memory_space<vmem>> -> memref<1x128xi32, #tpu.memory_space<vmem>>
    %dma_start3A_7 = tpu.memref_squeeze %dma_start3A_6 : memref<1x128xi32, #tpu.memory_space<vmem>> -> memref<128xi32, #tpu.memory_space<vmem>>
    %dma_start3A_8 = arith.constant 0 : i32
    %dma_start3A_9 = arith.constant 0 : i32
    %dma_start3A_10 = tpu.memref_slice %arg2[%dma_start3A_8, %dma_start3A_9] : memref<10112x128xf32, #tpu.memory_space<hbm>> -> memref<10112x128xf32, #tpu.memory_space<hbm>>
    tpu.enqueue_indirect_dma source(%dma_start3A_10 : memref<10112x128xf32, #tpu.memory_space<hbm>>) target(%arg9 : memref<128x128xf32, #tpu.memory_space<vmem>>) offsets(%dma_start3A_7 : memref<128xi32, #tpu.memory_space<vmem>>) semaphore(%arg11 : memref<!tpu.dma_semaphore, #tpu.memory_space<semaphore_mem>>)
    %dma_start3A_11 = arith.constant 1 : i32
    %dma_start3A_12 = arith.constant 0 : i32
    %dma_start3A_13 = tpu.memref_slice %arg7[%dma_start3A_11, %dma_start3A_12] : memref<40x128xi32, #tpu.memory_space<vmem>> -> memref<1x128xi32, #tpu.memory_space<vmem>>
    %dma_start3A_14 = tpu.memref_squeeze %dma_start3A_13 : memref<1x128xi32, #tpu.memory_space<vmem>> -> memref<128xi32, #tpu.memory_space<vmem>>
    %dma_start3A_15 = arith.constant 0 : i32
    %dma_start3A_16 = arith.constant 0 : i32
    %dma_start3A_17 = tpu.memref_slice %arg2[%dma_start3A_15, %dma_start3A_16] : memref<10112x128xf32, #tpu.memory_space<hbm>> -> memref<10112x128xf32, #tpu.memory_space<hbm>>
    tpu.enqueue_indirect_dma source(%dma_start3A_17 : memref<10112x128xf32, #tpu.memory_space<hbm>>) target(%arg10 : memref<128x128xf32, #tpu.memory_space<vmem>>) offsets(%dma_start3A_14 : memref<128xi32, #tpu.memory_space<vmem>>) semaphore(%arg12 : memref<!tpu.dma_semaphore, #tpu.memory_space<semaphore_mem>>)
    %scan3A = arith.constant 0 : i32
    %scan3A_18 = arith.constant 0 : i32
    %scan3A_19 = arith.constant 20 : i32
    %scan3A_20 = arith.addi %scan3A_18, %scan3A_19 : i32
    %scan3A_21 = arith.constant 1 : i32
    scf.for %scan3A_48 = %scan3A_18 to %scan3A_20 step %scan3A_21  : i32 {
      %mul3A_49 = arith.constant 2 : i32
      %mul3A_50 = arith.muli %mul3A_49, %scan3A_48 : i32
      %dma_wait3A = arith.constant 0 : i32
      %dma_wait3A_51 = tpu.memref_slice %arg7[%mul3A_50, %dma_wait3A] : memref<40x128xi32, #tpu.memory_space<vmem>> -> memref<1x128xi32, #tpu.memory_space<vmem>>
      %dma_wait3A_52 = tpu.memref_squeeze %dma_wait3A_51 : memref<1x128xi32, #tpu.memory_space<vmem>> -> memref<128xi32, #tpu.memory_space<vmem>>
      %dma_wait3A_53 = arith.constant 0 : i32
      %dma_wait3A_54 = arith.constant 0 : i32
      %dma_wait3A_55 = tpu.memref_slice %arg2[%dma_wait3A_53, %dma_wait3A_54] : memref<10112x128xf32, #tpu.memory_space<hbm>> -> memref<10112x128xf32, #tpu.memory_space<hbm>>
      tpu.wait_indirect_dma semaphore(%arg11 : memref<!tpu.dma_semaphore, #tpu.memory_space<semaphore_mem>>) src(%dma_wait3A_55 : memref<10112x128xf32, #tpu.memory_space<hbm>>) dst(%arg9 : memref<128x128xf32, #tpu.memory_space<vmem>>)
      "tpu.region"() ({
        %run_scoped3A = tpu.sem_alloc : memref<!tpu.dma_semaphore, #tpu.memory_space<semaphore_mem>>
        %dma_start3A_75 = arith.constant 0 : i32
        %dma_start3A_76 = tpu.memref_slice %arg8[%mul3A_50, %dma_start3A_75] : memref<40x128xi32, #tpu.memory_space<vmem>> -> memref<1x128xi32, #tpu.memory_space<vmem>>
        %dma_start3A_77 = tpu.memref_squeeze %dma_start3A_76 : memref<1x128xi32, #tpu.memory_space<vmem>> -> memref<128xi32, #tpu.memory_space<vmem>>
        %dma_start3A_78 = arith.constant 0 : i32
        %dma_start3A_79 = arith.constant 0 : i32
        %dma_start3A_80 = tpu.memref_slice %arg13[%dma_start3A_78, %dma_start3A_79] : memref<10112x128xf32, #tpu.memory_space<vmem_shared>> -> memref<10112x128xf32, #tpu.memory_space<vmem_shared>>
        tpu.enqueue_indirect_dma source(%arg9 : memref<128x128xf32, #tpu.memory_space<vmem>>) target(%dma_start3A_80 : memref<10112x128xf32, #tpu.memory_space<vmem_shared>>) offsets(%dma_start3A_77 : memref<128xi32, #tpu.memory_space<vmem>>) semaphore(%run_scoped3A : memref<!tpu.dma_semaphore, #tpu.memory_space<semaphore_mem>>) {add = true}
        %dma_wait3A_81 = arith.constant 0 : i32
        %dma_wait3A_82 = tpu.memref_slice %arg8[%mul3A_50, %dma_wait3A_81] : memref<40x128xi32, #tpu.memory_space<vmem>> -> memref<1x128xi32, #tpu.memory_space<vmem>>
        %dma_wait3A_83 = tpu.memref_squeeze %dma_wait3A_82 : memref<1x128xi32, #tpu.memory_space<vmem>> -> memref<128xi32, #tpu.memory_space<vmem>>
        %dma_wait3A_84 = arith.constant 0 : i32
        %dma_wait3A_85 = arith.constant 0 : i32
        %dma_wait3A_86 = tpu.memref_slice %arg13[%dma_wait3A_84, %dma_wait3A_85] : memref<10112x128xf32, #tpu.memory_space<vmem_shared>> -> memref<10112x128xf32, #tpu.memory_space<vmem_shared>>
        tpu.wait_indirect_dma semaphore(%run_scoped3A : memref<!tpu.dma_semaphore, #tpu.memory_space<semaphore_mem>>) src(%arg9 : memref<128x128xf32, #tpu.memory_space<vmem>>) dst(%dma_wait3A_86 : memref<10112x128xf32, #tpu.memory_space<vmem_shared>>)
        tpu.yield
      }) : () -> ()
      %add3A_56 = arith.constant 2 : i32
      %add3A_57 = arith.addi %mul3A_50, %add3A_56 : i32
      %lt3A = arith.constant 40 : i32
      %lt3A_58 = arith.cmpi slt, %add3A_57, %lt3A : i32
      %convert_element_type3A = arith.extui %lt3A_58 : i1 to i32
      %cond3A = arith.constant 0 : i32
      %cond3A_59 = arith.cmpi ne, %convert_element_type3A, %cond3A : i32
      scf.if %cond3A_59 {
        %add3A_75 = arith.constant 2 : i32
        %add3A_76 = arith.addi %mul3A_50, %add3A_75 : i32
        %dma_start3A_77 = arith.constant 0 : i32
        %dma_start3A_78 = tpu.memref_slice %arg7[%add3A_76, %dma_start3A_77] : memref<40x128xi32, #tpu.memory_space<vmem>> -> memref<1x128xi32, #tpu.memory_space<vmem>>
        %dma_start3A_79 = tpu.memref_squeeze %dma_start3A_78 : memref<1x128xi32, #tpu.memory_space<vmem>> -> memref<128xi32, #tpu.memory_space<vmem>>
        %dma_start3A_80 = arith.constant 0 : i32
        %dma_start3A_81 = arith.constant 0 : i32
        %dma_start3A_82 = tpu.memref_slice %arg2[%dma_start3A_80, %dma_start3A_81] : memref<10112x128xf32, #tpu.memory_space<hbm>> -> memref<10112x128xf32, #tpu.memory_space<hbm>>
        tpu.enqueue_indirect_dma source(%dma_start3A_82 : memref<10112x128xf32, #tpu.memory_space<hbm>>) target(%arg9 : memref<128x128xf32, #tpu.memory_space<vmem>>) offsets(%dma_start3A_79 : memref<128xi32, #tpu.memory_space<vmem>>) semaphore(%arg11 : memref<!tpu.dma_semaphore, #tpu.memory_space<semaphore_mem>>)
      } else {
      }
      %add3A_60 = arith.constant 1 : i32
      %add3A_61 = arith.addi %mul3A_50, %add3A_60 : i32
      %dma_wait3A_62 = arith.constant 0 : i32
      %dma_wait3A_63 = tpu.memref_slice %arg7[%add3A_61, %dma_wait3A_62] : memref<40x128xi32, #tpu.memory_space<vmem>> -> memref<1x128xi32, #tpu.memory_space<vmem>>
      %dma_wait3A_64 = tpu.memref_squeeze %dma_wait3A_63 : memref<1x128xi32, #tpu.memory_space<vmem>> -> memref<128xi32, #tpu.memory_space<vmem>>
      %dma_wait3A_65 = arith.constant 0 : i32
      %dma_wait3A_66 = arith.constant 0 : i32
      %dma_wait3A_67 = tpu.memref_slice %arg2[%dma_wait3A_65, %dma_wait3A_66] : memref<10112x128xf32, #tpu.memory_space<hbm>> -> memref<10112x128xf32, #tpu.memory_space<hbm>>
      tpu.wait_indirect_dma semaphore(%arg12 : memref<!tpu.dma_semaphore, #tpu.memory_space<semaphore_mem>>) src(%dma_wait3A_67 : memref<10112x128xf32, #tpu.memory_space<hbm>>) dst(%arg10 : memref<128x128xf32, #tpu.memory_space<vmem>>)
      "tpu.region"() ({
        %run_scoped3A = tpu.sem_alloc : memref<!tpu.dma_semaphore, #tpu.memory_space<semaphore_mem>>
        %dma_start3A_75 = arith.constant 0 : i32
        %dma_start3A_76 = tpu.memref_slice %arg8[%add3A_61, %dma_start3A_75] : memref<40x128xi32, #tpu.memory_space<vmem>> -> memref<1x128xi32, #tpu.memory_space<vmem>>
        %dma_start3A_77 = tpu.memref_squeeze %dma_start3A_76 : memref<1x128xi32, #tpu.memory_space<vmem>> -> memref<128xi32, #tpu.memory_space<vmem>>
        %dma_start3A_78 = arith.constant 0 : i32
        %dma_start3A_79 = arith.constant 0 : i32
        %dma_start3A_80 = tpu.memref_slice %arg13[%dma_start3A_78, %dma_start3A_79] : memref<10112x128xf32, #tpu.memory_space<vmem_shared>> -> memref<10112x128xf32, #tpu.memory_space<vmem_shared>>
        tpu.enqueue_indirect_dma source(%arg10 : memref<128x128xf32, #tpu.memory_space<vmem>>) target(%dma_start3A_80 : memref<10112x128xf32, #tpu.memory_space<vmem_shared>>) offsets(%dma_start3A_77 : memref<128xi32, #tpu.memory_space<vmem>>) semaphore(%run_scoped3A : memref<!tpu.dma_semaphore, #tpu.memory_space<semaphore_mem>>) {add = true}
        %dma_wait3A_81 = arith.constant 0 : i32
        %dma_wait3A_82 = tpu.memref_slice %arg8[%add3A_61, %dma_wait3A_81] : memref<40x128xi32, #tpu.memory_space<vmem>> -> memref<1x128xi32, #tpu.memory_space<vmem>>
        %dma_wait3A_83 = tpu.memref_squeeze %dma_wait3A_82 : memref<1x128xi32, #tpu.memory_space<vmem>> -> memref<128xi32, #tpu.memory_space<vmem>>
        %dma_wait3A_84 = arith.constant 0 : i32
        %dma_wait3A_85 = arith.constant 0 : i32
        %dma_wait3A_86 = tpu.memref_slice %arg13[%dma_wait3A_84, %dma_wait3A_85] : memref<10112x128xf32, #tpu.memory_space<vmem_shared>> -> memref<10112x128xf32, #tpu.memory_space<vmem_shared>>
        tpu.wait_indirect_dma semaphore(%run_scoped3A : memref<!tpu.dma_semaphore, #tpu.memory_space<semaphore_mem>>) src(%arg10 : memref<128x128xf32, #tpu.memory_space<vmem>>) dst(%dma_wait3A_86 : memref<10112x128xf32, #tpu.memory_space<vmem_shared>>)
        tpu.yield
      }) : () -> ()
      %add3A_68 = arith.constant 2 : i32
      %add3A_69 = arith.addi %add3A_61, %add3A_68 : i32
      %lt3A_70 = arith.constant 40 : i32
      %lt3A_71 = arith.cmpi slt, %add3A_69, %lt3A_70 : i32
      %convert_element_type3A_72 = arith.extui %lt3A_71 : i1 to i32
      %cond3A_73 = arith.constant 0 : i32
      %cond3A_74 = arith.cmpi ne, %convert_element_type3A_72, %cond3A_73 : i32
      scf.if %cond3A_74 {
        %add3A_75 = arith.constant 2 : i32
        %add3A_76 = arith.addi %add3A_61, %add3A_75 : i32
        %dma_start3A_77 = arith.constant 0 : i32
        %dma_start3A_78 = tpu.memref_slice %arg7[%add3A_76, %dma_start3A_77] : memref<40x128xi32, #tpu.memory_space<vmem>> -> memref<1x128xi32, #tpu.memory_space<vmem>>
        %dma_start3A_79 = tpu.memref_squeeze %dma_start3A_78 : memref<1x128xi32, #tpu.memory_space<vmem>> -> memref<128xi32, #tpu.memory_space<vmem>>
        %dma_start3A_80 = arith.constant 0 : i32
        %dma_start3A_81 = arith.constant 0 : i32
        %dma_start3A_82 = tpu.memref_slice %arg2[%dma_start3A_80, %dma_start3A_81] : memref<10112x128xf32, #tpu.memory_space<hbm>> -> memref<10112x128xf32, #tpu.memory_space<hbm>>
        tpu.enqueue_indirect_dma source(%dma_start3A_82 : memref<10112x128xf32, #tpu.memory_space<hbm>>) target(%arg10 : memref<128x128xf32, #tpu.memory_space<vmem>>) offsets(%dma_start3A_79 : memref<128xi32, #tpu.memory_space<vmem>>) semaphore(%arg12 : memref<!tpu.dma_semaphore, #tpu.memory_space<semaphore_mem>>)
      } else {
      }
    }
    %scan3A_22 = arith.constant 20 : i32
    "tpu.region"() ({
      %run_scoped3A = tpu.sem_alloc : memref<!tpu.dma_semaphore, #tpu.memory_space<semaphore_mem>>
      %dma_start3A_48 = arith.constant 40 : i32
      %dma_start3A_49 = arith.constant 0 : i32
      %dma_start3A_50 = tpu.memref_slice %arg3[%add3A, %dma_start3A_48, %dma_start3A_49] : memref<32x80x128xi32, #tpu.memory_space<hbm>> -> memref<1x40x128xi32, #tpu.memory_space<hbm>>
      %dma_start3A_51 = tpu.memref_squeeze %dma_start3A_50 : memref<1x40x128xi32, #tpu.memory_space<hbm>> -> memref<40x128xi32, #tpu.memory_space<hbm>>
      %dma_start3A_52 = arith.constant 40 : i32
      %dma_start3A_53 = arith.constant 0 : i32
      %dma_start3A_54 = tpu.memref_slice %arg3[%add3A, %dma_start3A_52, %dma_start3A_53] : memref<32x80x128xi32, #tpu.memory_space<hbm>> -> memref<1x40x128xi32, #tpu.memory_space<hbm>>
      %dma_start3A_55 = tpu.memref_squeeze %dma_start3A_54 : memref<1x40x128xi32, #tpu.memory_space<hbm>> -> memref<40x128xi32, #tpu.memory_space<hbm>>
      tpu.enqueue_dma source(%dma_start3A_55 : memref<40x128xi32, #tpu.memory_space<hbm>>) target(%arg7 : memref<40x128xi32, #tpu.memory_space<vmem>>) target_semaphore(%run_scoped3A : memref<!tpu.dma_semaphore, #tpu.memory_space<semaphore_mem>>)
      %dma_wait3A = arith.constant 40 : i32
      %dma_wait3A_56 = arith.constant 0 : i32
      %dma_wait3A_57 = tpu.memref_slice %arg3[%add3A, %dma_wait3A, %dma_wait3A_56] : memref<32x80x128xi32, #tpu.memory_space<hbm>> -> memref<1x40x128xi32, #tpu.memory_space<hbm>>
      %dma_wait3A_58 = tpu.memref_squeeze %dma_wait3A_57 : memref<1x40x128xi32, #tpu.memory_space<hbm>> -> memref<40x128xi32, #tpu.memory_space<hbm>>
      %dma_wait3A_59 = arith.constant 40 : i32
      %dma_wait3A_60 = arith.constant 0 : i32
      %dma_wait3A_61 = tpu.memref_slice %arg3[%add3A, %dma_wait3A_59, %dma_wait3A_60] : memref<32x80x128xi32, #tpu.memory_space<hbm>> -> memref<1x40x128xi32, #tpu.memory_space<hbm>>
      %dma_wait3A_62 = tpu.memref_squeeze %dma_wait3A_61 : memref<1x40x128xi32, #tpu.memory_space<hbm>> -> memref<40x128xi32, #tpu.memory_space<hbm>>
      tpu.wait_dma2 semaphore(%run_scoped3A : memref<!tpu.dma_semaphore, #tpu.memory_space<semaphore_mem>>) src(%dma_wait3A_62 : memref<40x128xi32, #tpu.memory_space<hbm>>) dst(%arg7 : memref<40x128xi32, #tpu.memory_space<vmem>>)
      tpu.yield
    }) : () -> ()
    "tpu.region"() ({
      %run_scoped3A = tpu.sem_alloc : memref<!tpu.dma_semaphore, #tpu.memory_space<semaphore_mem>>
      %dma_start3A_48 = arith.constant 40 : i32
      %dma_start3A_49 = arith.constant 0 : i32
      %dma_start3A_50 = tpu.memref_slice %arg4[%add3A, %dma_start3A_48, %dma_start3A_49] : memref<32x80x128xi32, #tpu.memory_space<hbm>> -> memref<1x40x128xi32, #tpu.memory_space<hbm>>
      %dma_start3A_51 = tpu.memref_squeeze %dma_start3A_50 : memref<1x40x128xi32, #tpu.memory_space<hbm>> -> memref<40x128xi32, #tpu.memory_space<hbm>>
      %dma_start3A_52 = arith.constant 40 : i32
      %dma_start3A_53 = arith.constant 0 : i32
      %dma_start3A_54 = tpu.memref_slice %arg4[%add3A, %dma_start3A_52, %dma_start3A_53] : memref<32x80x128xi32, #tpu.memory_space<hbm>> -> memref<1x40x128xi32, #tpu.memory_space<hbm>>
      %dma_start3A_55 = tpu.memref_squeeze %dma_start3A_54 : memref<1x40x128xi32, #tpu.memory_space<hbm>> -> memref<40x128xi32, #tpu.memory_space<hbm>>
      tpu.enqueue_dma source(%dma_start3A_55 : memref<40x128xi32, #tpu.memory_space<hbm>>) target(%arg8 : memref<40x128xi32, #tpu.memory_space<vmem>>) target_semaphore(%run_scoped3A : memref<!tpu.dma_semaphore, #tpu.memory_space<semaphore_mem>>)
      %dma_wait3A = arith.constant 40 : i32
      %dma_wait3A_56 = arith.constant 0 : i32
      %dma_wait3A_57 = tpu.memref_slice %arg4[%add3A, %dma_wait3A, %dma_wait3A_56] : memref<32x80x128xi32, #tpu.memory_space<hbm>> -> memref<1x40x128xi32, #tpu.memory_space<hbm>>
      %dma_wait3A_58 = tpu.memref_squeeze %dma_wait3A_57 : memref<1x40x128xi32, #tpu.memory_space<hbm>> -> memref<40x128xi32, #tpu.memory_space<hbm>>
      %dma_wait3A_59 = arith.constant 40 : i32
      %dma_wait3A_60 = arith.constant 0 : i32
      %dma_wait3A_61 = tpu.memref_slice %arg4[%add3A, %dma_wait3A_59, %dma_wait3A_60] : memref<32x80x128xi32, #tpu.memory_space<hbm>> -> memref<1x40x128xi32, #tpu.memory_space<hbm>>
      %dma_wait3A_62 = tpu.memref_squeeze %dma_wait3A_61 : memref<1x40x128xi32, #tpu.memory_space<hbm>> -> memref<40x128xi32, #tpu.memory_space<hbm>>
      tpu.wait_dma2 semaphore(%run_scoped3A : memref<!tpu.dma_semaphore, #tpu.memory_space<semaphore_mem>>) src(%dma_wait3A_62 : memref<40x128xi32, #tpu.memory_space<hbm>>) dst(%arg8 : memref<40x128xi32, #tpu.memory_space<vmem>>)
      tpu.yield
    }) : () -> ()
    %dma_start3A_23 = arith.constant 0 : i32
    %dma_start3A_24 = arith.constant 0 : i32
    %dma_start3A_25 = tpu.memref_slice %arg7[%dma_start3A_23, %dma_start3A_24] : memref<40x128xi32, #tpu.memory_space<vmem>> -> memref<1x128xi32, #tpu.memory_space<vmem>>
    %dma_start3A_26 = tpu.memref_squeeze %dma_start3A_25 : memref<1x128xi32, #tpu.memory_space<vmem>> -> memref<128xi32, #tpu.memory_space<vmem>>
    %dma_start3A_27 = arith.constant 0 : i32
    %dma_start3A_28 = arith.constant 0 : i32
    %dma_start3A_29 = tpu.memref_slice %arg2[%dma_start3A_27, %dma_start3A_28] : memref<10112x128xf32, #tpu.memory_space<hbm>> -> memref<10112x128xf32, #tpu.memory_space<hbm>>
    tpu.enqueue_indirect_dma source(%dma_start3A_29 : memref<10112x128xf32, #tpu.memory_space<hbm>>) target(%arg9 : memref<128x128xf32, #tpu.memory_space<vmem>>) offsets(%dma_start3A_26 : memref<128xi32, #tpu.memory_space<vmem>>) semaphore(%arg11 : memref<!tpu.dma_semaphore, #tpu.memory_space<semaphore_mem>>)
    %dma_start3A_30 = arith.constant 1 : i32
    %dma_start3A_31 = arith.constant 0 : i32
    %dma_start3A_32 = tpu.memref_slice %arg7[%dma_start3A_30, %dma_start3A_31] : memref<40x128xi32, #tpu.memory_space<vmem>> -> memref<1x128xi32, #tpu.memory_space<vmem>>
    %dma_start3A_33 = tpu.memref_squeeze %dma_start3A_32 : memref<1x128xi32, #tpu.memory_space<vmem>> -> memref<128xi32, #tpu.memory_space<vmem>>
    %dma_start3A_34 = arith.constant 0 : i32
    %dma_start3A_35 = arith.constant 0 : i32
    %dma_start3A_36 = tpu.memref_slice %arg2[%dma_start3A_34, %dma_start3A_35] : memref<10112x128xf32, #tpu.memory_space<hbm>> -> memref<10112x128xf32, #tpu.memory_space<hbm>>
    tpu.enqueue_indirect_dma source(%dma_start3A_36 : memref<10112x128xf32, #tpu.memory_space<hbm>>) target(%arg10 : memref<128x128xf32, #tpu.memory_space<vmem>>) offsets(%dma_start3A_33 : memref<128xi32, #tpu.memory_space<vmem>>) semaphore(%arg12 : memref<!tpu.dma_semaphore, #tpu.memory_space<semaphore_mem>>)
    %scan3A_37 = arith.constant 0 : i32
    %scan3A_38 = arith.constant 0 : i32
    %scan3A_39 = arith.constant 20 : i32
    %scan3A_40 = arith.addi %scan3A_38, %scan3A_39 : i32
    %scan3A_41 = arith.constant 1 : i32
    scf.for %scan3A_48 = %scan3A_38 to %scan3A_40 step %scan3A_41  : i32 {
      %mul3A_49 = arith.constant 2 : i32
      %mul3A_50 = arith.muli %mul3A_49, %scan3A_48 : i32
      %dma_wait3A = arith.constant 0 : i32
      %dma_wait3A_51 = tpu.memref_slice %arg7[%mul3A_50, %dma_wait3A] : memref<40x128xi32, #tpu.memory_space<vmem>> -> memref<1x128xi32, #tpu.memory_space<vmem>>
      %dma_wait3A_52 = tpu.memref_squeeze %dma_wait3A_51 : memref<1x128xi32, #tpu.memory_space<vmem>> -> memref<128xi32, #tpu.memory_space<vmem>>
      %dma_wait3A_53 = arith.constant 0 : i32
      %dma_wait3A_54 = arith.constant 0 : i32
      %dma_wait3A_55 = tpu.memref_slice %arg2[%dma_wait3A_53, %dma_wait3A_54] : memref<10112x128xf32, #tpu.memory_space<hbm>> -> memref<10112x128xf32, #tpu.memory_space<hbm>>
      tpu.wait_indirect_dma semaphore(%arg11 : memref<!tpu.dma_semaphore, #tpu.memory_space<semaphore_mem>>) src(%dma_wait3A_55 : memref<10112x128xf32, #tpu.memory_space<hbm>>) dst(%arg9 : memref<128x128xf32, #tpu.memory_space<vmem>>)
      "tpu.region"() ({
        %run_scoped3A = tpu.sem_alloc : memref<!tpu.dma_semaphore, #tpu.memory_space<semaphore_mem>>
        %dma_start3A_75 = arith.constant 0 : i32
        %dma_start3A_76 = tpu.memref_slice %arg8[%mul3A_50, %dma_start3A_75] : memref<40x128xi32, #tpu.memory_space<vmem>> -> memref<1x128xi32, #tpu.memory_space<vmem>>
        %dma_start3A_77 = tpu.memref_squeeze %dma_start3A_76 : memref<1x128xi32, #tpu.memory_space<vmem>> -> memref<128xi32, #tpu.memory_space<vmem>>
        %dma_start3A_78 = arith.constant 0 : i32
        %dma_start3A_79 = arith.constant 0 : i32
        %dma_start3A_80 = tpu.memref_slice %arg13[%dma_start3A_78, %dma_start3A_79] : memref<10112x128xf32, #tpu.memory_space<vmem_shared>> -> memref<10112x128xf32, #tpu.memory_space<vmem_shared>>
        tpu.enqueue_indirect_dma source(%arg9 : memref<128x128xf32, #tpu.memory_space<vmem>>) target(%dma_start3A_80 : memref<10112x128xf32, #tpu.memory_space<vmem_shared>>) offsets(%dma_start3A_77 : memref<128xi32, #tpu.memory_space<vmem>>) semaphore(%run_scoped3A : memref<!tpu.dma_semaphore, #tpu.memory_space<semaphore_mem>>) {add = true}
        %dma_wait3A_81 = arith.constant 0 : i32
        %dma_wait3A_82 = tpu.memref_slice %arg8[%mul3A_50, %dma_wait3A_81] : memref<40x128xi32, #tpu.memory_space<vmem>> -> memref<1x128xi32, #tpu.memory_space<vmem>>
        %dma_wait3A_83 = tpu.memref_squeeze %dma_wait3A_82 : memref<1x128xi32, #tpu.memory_space<vmem>> -> memref<128xi32, #tpu.memory_space<vmem>>
        %dma_wait3A_84 = arith.constant 0 : i32
        %dma_wait3A_85 = arith.constant 0 : i32
        %dma_wait3A_86 = tpu.memref_slice %arg13[%dma_wait3A_84, %dma_wait3A_85] : memref<10112x128xf32, #tpu.memory_space<vmem_shared>> -> memref<10112x128xf32, #tpu.memory_space<vmem_shared>>
        tpu.wait_indirect_dma semaphore(%run_scoped3A : memref<!tpu.dma_semaphore, #tpu.memory_space<semaphore_mem>>) src(%arg9 : memref<128x128xf32, #tpu.memory_space<vmem>>) dst(%dma_wait3A_86 : memref<10112x128xf32, #tpu.memory_space<vmem_shared>>)
        tpu.yield
      }) : () -> ()
      %add3A_56 = arith.constant 2 : i32
      %add3A_57 = arith.addi %mul3A_50, %add3A_56 : i32
      %lt3A = arith.constant 40 : i32
      %lt3A_58 = arith.cmpi slt, %add3A_57, %lt3A : i32
      %convert_element_type3A = arith.extui %lt3A_58 : i1 to i32
      %cond3A = arith.constant 0 : i32
      %cond3A_59 = arith.cmpi ne, %convert_element_type3A, %cond3A : i32
      scf.if %cond3A_59 {
        %add3A_75 = arith.constant 2 : i32
        %add3A_76 = arith.addi %mul3A_50, %add3A_75 : i32
        %dma_start3A_77 = arith.constant 0 : i32
        %dma_start3A_78 = tpu.memref_slice %arg7[%add3A_76, %dma_start3A_77] : memref<40x128xi32, #tpu.memory_space<vmem>> -> memref<1x128xi32, #tpu.memory_space<vmem>>
        %dma_start3A_79 = tpu.memref_squeeze %dma_start3A_78 : memref<1x128xi32, #tpu.memory_space<vmem>> -> memref<128xi32, #tpu.memory_space<vmem>>
        %dma_start3A_80 = arith.constant 0 : i32
        %dma_start3A_81 = arith.constant 0 : i32
        %dma_start3A_82 = tpu.memref_slice %arg2[%dma_start3A_80, %dma_start3A_81] : memref<10112x128xf32, #tpu.memory_space<hbm>> -> memref<10112x128xf32, #tpu.memory_space<hbm>>
        tpu.enqueue_indirect_dma source(%dma_start3A_82 : memref<10112x128xf32, #tpu.memory_space<hbm>>) target(%arg9 : memref<128x128xf32, #tpu.memory_space<vmem>>) offsets(%dma_start3A_79 : memref<128xi32, #tpu.memory_space<vmem>>) semaphore(%arg11 : memref<!tpu.dma_semaphore, #tpu.memory_space<semaphore_mem>>)
      } else {
      }
      %add3A_60 = arith.constant 1 : i32
      %add3A_61 = arith.addi %mul3A_50, %add3A_60 : i32
      %dma_wait3A_62 = arith.constant 0 : i32
      %dma_wait3A_63 = tpu.memref_slice %arg7[%add3A_61, %dma_wait3A_62] : memref<40x128xi32, #tpu.memory_space<vmem>> -> memref<1x128xi32, #tpu.memory_space<vmem>>
      %dma_wait3A_64 = tpu.memref_squeeze %dma_wait3A_63 : memref<1x128xi32, #tpu.memory_space<vmem>> -> memref<128xi32, #tpu.memory_space<vmem>>
      %dma_wait3A_65 = arith.constant 0 : i32
      %dma_wait3A_66 = arith.constant 0 : i32
      %dma_wait3A_67 = tpu.memref_slice %arg2[%dma_wait3A_65, %dma_wait3A_66] : memref<10112x128xf32, #tpu.memory_space<hbm>> -> memref<10112x128xf32, #tpu.memory_space<hbm>>
      tpu.wait_indirect_dma semaphore(%arg12 : memref<!tpu.dma_semaphore, #tpu.memory_space<semaphore_mem>>) src(%dma_wait3A_67 : memref<10112x128xf32, #tpu.memory_space<hbm>>) dst(%arg10 : memref<128x128xf32, #tpu.memory_space<vmem>>)
      "tpu.region"() ({
        %run_scoped3A = tpu.sem_alloc : memref<!tpu.dma_semaphore, #tpu.memory_space<semaphore_mem>>
        %dma_start3A_75 = arith.constant 0 : i32
        %dma_start3A_76 = tpu.memref_slice %arg8[%add3A_61, %dma_start3A_75] : memref<40x128xi32, #tpu.memory_space<vmem>> -> memref<1x128xi32, #tpu.memory_space<vmem>>
        %dma_start3A_77 = tpu.memref_squeeze %dma_start3A_76 : memref<1x128xi32, #tpu.memory_space<vmem>> -> memref<128xi32, #tpu.memory_space<vmem>>
        %dma_start3A_78 = arith.constant 0 : i32
        %dma_start3A_79 = arith.constant 0 : i32
        %dma_start3A_80 = tpu.memref_slice %arg13[%dma_start3A_78, %dma_start3A_79] : memref<10112x128xf32, #tpu.memory_space<vmem_shared>> -> memref<10112x128xf32, #tpu.memory_space<vmem_shared>>
        tpu.enqueue_indirect_dma source(%arg10 : memref<128x128xf32, #tpu.memory_space<vmem>>) target(%dma_start3A_80 : memref<10112x128xf32, #tpu.memory_space<vmem_shared>>) offsets(%dma_start3A_77 : memref<128xi32, #tpu.memory_space<vmem>>) semaphore(%run_scoped3A : memref<!tpu.dma_semaphore, #tpu.memory_space<semaphore_mem>>) {add = true}
        %dma_wait3A_81 = arith.constant 0 : i32
        %dma_wait3A_82 = tpu.memref_slice %arg8[%add3A_61, %dma_wait3A_81] : memref<40x128xi32, #tpu.memory_space<vmem>> -> memref<1x128xi32, #tpu.memory_space<vmem>>
        %dma_wait3A_83 = tpu.memref_squeeze %dma_wait3A_82 : memref<1x128xi32, #tpu.memory_space<vmem>> -> memref<128xi32, #tpu.memory_space<vmem>>
        %dma_wait3A_84 = arith.constant 0 : i32
        %dma_wait3A_85 = arith.constant 0 : i32
        %dma_wait3A_86 = tpu.memref_slice %arg13[%dma_wait3A_84, %dma_wait3A_85] : memref<10112x128xf32, #tpu.memory_space<vmem_shared>> -> memref<10112x128xf32, #tpu.memory_space<vmem_shared>>
        tpu.wait_indirect_dma semaphore(%run_scoped3A : memref<!tpu.dma_semaphore, #tpu.memory_space<semaphore_mem>>) src(%arg10 : memref<128x128xf32, #tpu.memory_space<vmem>>) dst(%dma_wait3A_86 : memref<10112x128xf32, #tpu.memory_space<vmem_shared>>)
        tpu.yield
      }) : () -> ()
      %add3A_68 = arith.constant 2 : i32
      %add3A_69 = arith.addi %add3A_61, %add3A_68 : i32
      %lt3A_70 = arith.constant 40 : i32
      %lt3A_71 = arith.cmpi slt, %add3A_69, %lt3A_70 : i32
      %convert_element_type3A_72 = arith.extui %lt3A_71 : i1 to i32
      %cond3A_73 = arith.constant 0 : i32
      %cond3A_74 = arith.cmpi ne, %convert_element_type3A_72, %cond3A_73 : i32
      scf.if %cond3A_74 {
        %add3A_75 = arith.constant 2 : i32
        %add3A_76 = arith.addi %add3A_61, %add3A_75 : i32
        %dma_start3A_77 = arith.constant 0 : i32
        %dma_start3A_78 = tpu.memref_slice %arg7[%add3A_76, %dma_start3A_77] : memref<40x128xi32, #tpu.memory_space<vmem>> -> memref<1x128xi32, #tpu.memory_space<vmem>>
        %dma_start3A_79 = tpu.memref_squeeze %dma_start3A_78 : memref<1x128xi32, #tpu.memory_space<vmem>> -> memref<128xi32, #tpu.memory_space<vmem>>
        %dma_start3A_80 = arith.constant 0 : i32
        %dma_start3A_81 = arith.constant 0 : i32
        %dma_start3A_82 = tpu.memref_slice %arg2[%dma_start3A_80, %dma_start3A_81] : memref<10112x128xf32, #tpu.memory_space<hbm>> -> memref<10112x128xf32, #tpu.memory_space<hbm>>
        tpu.enqueue_indirect_dma source(%dma_start3A_82 : memref<10112x128xf32, #tpu.memory_space<hbm>>) target(%arg10 : memref<128x128xf32, #tpu.memory_space<vmem>>) offsets(%dma_start3A_79 : memref<128xi32, #tpu.memory_space<vmem>>) semaphore(%arg12 : memref<!tpu.dma_semaphore, #tpu.memory_space<semaphore_mem>>)
      } else {
      }
    }
    %scan3A_42 = arith.constant 20 : i32
    %barrier3A_43 = arith.constant 0 : index
    tpu.barrier barrier_id(%barrier3A_43)
    %mul3A_44 = arith.constant 632 : i32
    %mul3A_45 = arith.muli %arg1, %mul3A_44 : i32
    %mul3A_46 = arith.constant 632 : i32
    %mul3A_47 = arith.muli %arg1, %mul3A_46 : i32
    "tpu.region"() ({
      %run_scoped3A = tpu.sem_alloc : memref<!tpu.dma_semaphore, #tpu.memory_space<semaphore_mem>>
      %dma_start3A_48 = arith.constant 0 : i32
      %dma_start3A_49 = tpu.memref_slice %arg6[%arg0, %mul3A_47, %dma_start3A_48] : memref<2x10112x128xf32, #tpu.memory_space<hbm>> -> memref<1x632x128xf32, #tpu.memory_space<hbm>>
      %dma_start3A_50 = tpu.memref_squeeze %dma_start3A_49 : memref<1x632x128xf32, #tpu.memory_space<hbm>> -> memref<632x128xf32, #tpu.memory_space<hbm>>
      %dma_start3A_51 = arith.constant 0 : i32
      %dma_start3A_52 = tpu.memref_slice %arg13[%mul3A_45, %dma_start3A_51] : memref<10112x128xf32, #tpu.memory_space<vmem_shared>> -> memref<632x128xf32, #tpu.memory_space<vmem_shared>>
      tpu.enqueue_dma source(%dma_start3A_52 : memref<632x128xf32, #tpu.memory_space<vmem_shared>>) target(%dma_start3A_50 : memref<632x128xf32, #tpu.memory_space<hbm>>) target_semaphore(%run_scoped3A : memref<!tpu.dma_semaphore, #tpu.memory_space<semaphore_mem>>)
      %dma_wait3A = arith.constant 0 : i32
      %dma_wait3A_53 = tpu.memref_slice %arg6[%arg0, %mul3A_47, %dma_wait3A] : memref<2x10112x128xf32, #tpu.memory_space<hbm>> -> memref<1x632x128xf32, #tpu.memory_space<hbm>>
      %dma_wait3A_54 = tpu.memref_squeeze %dma_wait3A_53 : memref<1x632x128xf32, #tpu.memory_space<hbm>> -> memref<632x128xf32, #tpu.memory_space<hbm>>
      %dma_wait3A_55 = arith.constant 0 : i32
      %dma_wait3A_56 = tpu.memref_slice %arg13[%mul3A_45, %dma_wait3A_55] : memref<10112x128xf32, #tpu.memory_space<vmem_shared>> -> memref<632x128xf32, #tpu.memory_space<vmem_shared>>
      tpu.wait_dma2 semaphore(%run_scoped3A : memref<!tpu.dma_semaphore, #tpu.memory_space<semaphore_mem>>) src(%dma_wait3A_56 : memref<632x128xf32, #tpu.memory_space<vmem_shared>>) dst(%dma_wait3A_54 : memref<632x128xf32, #tpu.memory_space<hbm>>)
      tpu.yield
    }) : () -> ()
    return
  }
}

#map = affine_map<(d0, d1) -> (0, 0)>
#map1 = affine_map<(d0, d1) -> (0, 0, 0)>
module attributes {stable_mosaic.version = 14 : i64} {
  func.func @_agg_body(%arg0: i32, %arg1: i32, %arg2: memref<10112x128xf32, #tpu.memory_space<hbm>>, %arg3: memref<32x80x128xi32, #tpu.memory_space<hbm>>, %arg4: memref<32x80x128xi32, #tpu.memory_space<hbm>>, %arg5: memref<10112x128xf32, #tpu.memory_space<hbm>>, %arg6: memref<2x10112x128xf32, #tpu.memory_space<hbm>>, %arg7: memref<40x128xi32, #tpu.memory_space<vmem>>, %arg8: memref<40x128xi32, #tpu.memory_space<vmem>>, %arg9: memref<128x128xf32, #tpu.memory_space<vmem>>, %arg10: memref<128x128xf32, #tpu.memory_space<vmem>>, %arg11: memref<!tpu.dma_semaphore, #tpu.memory_space<semaphore_mem>>, %arg12: memref<!tpu.dma_semaphore, #tpu.memory_space<semaphore_mem>>, %arg13: memref<10112x128xf32, #tpu.memory_space<vmem_shared>>) attributes {dimension_semantics = [#tpu.dimension_semantics<core_parallel>, #tpu.dimension_semantics<subcore_parallel>], iteration_bounds = array<i64: 2, 16>, scalar_prefetch = 0 : i64, scratch_operands = 7 : i64, tpu.core_type = #tpu.core_type<sc_vector_subcore>, window_params = [{transform_indices = #map}, {transform_indices = #map1}, {transform_indices = #map1}, {transform_indices = #map}, {transform_indices = #map1}]} {
    %mul3A = arith.constant 16 : i32
    %mul3A_0 = arith.muli %arg0, %mul3A : i32
    %add3A = arith.addi %mul3A_0, %arg1 : i32
    %mul3A_1 = arith.constant 632 : i32
    %mul3A_2 = arith.muli %arg1, %mul3A_1 : i32
    %mul3A_3 = arith.constant 632 : i32
    %mul3A_4 = arith.muli %arg1, %mul3A_3 : i32
    "tpu.region"() ({
      %run_scoped3A = tpu.sem_alloc : memref<!tpu.dma_semaphore, #tpu.memory_space<semaphore_mem>>
      %dma_start3A_48 = arith.constant 0 : i32
      %dma_start3A_49 = tpu.memref_slice %arg13[%mul3A_4, %dma_start3A_48] : memref<10112x128xf32, #tpu.memory_space<vmem_shared>> -> memref<632x128xf32, #tpu.memory_space<vmem_shared>>
      %dma_start3A_50 = arith.constant 0 : i32
      %dma_start3A_51 = tpu.memref_slice %arg5[%mul3A_2, %dma_start3A_50] : memref<10112x128xf32, #tpu.memory_space<hbm>> -> memref<632x128xf32, #tpu.memory_space<hbm>>
      tpu.enqueue_dma source(%dma_start3A_51 : memref<632x128xf32, #tpu.memory_space<hbm>>) target(%dma_start3A_49 : memref<632x128xf32, #tpu.memory_space<vmem_shared>>) target_semaphore(%run_scoped3A : memref<!tpu.dma_semaphore, #tpu.memory_space<semaphore_mem>>)
      %dma_wait3A = arith.constant 0 : i32
      %dma_wait3A_52 = tpu.memref_slice %arg13[%mul3A_4, %dma_wait3A] : memref<10112x128xf32, #tpu.memory_space<vmem_shared>> -> memref<632x128xf32, #tpu.memory_space<vmem_shared>>
      %dma_wait3A_53 = arith.constant 0 : i32
      %dma_wait3A_54 = tpu.memref_slice %arg5[%mul3A_2, %dma_wait3A_53] : memref<10112x128xf32, #tpu.memory_space<hbm>> -> memref<632x128xf32, #tpu.memory_space<hbm>>
      tpu.wait_dma2 semaphore(%run_scoped3A : memref<!tpu.dma_semaphore, #tpu.memory_space<semaphore_mem>>) src(%dma_wait3A_54 : memref<632x128xf32, #tpu.memory_space<hbm>>) dst(%dma_wait3A_52 : memref<632x128xf32, #tpu.memory_space<vmem_shared>>)
      tpu.yield
    }) : () -> ()
    %barrier3A = arith.constant 0 : index
    tpu.barrier barrier_id(%barrier3A)
    "tpu.region"() ({
      %run_scoped3A = tpu.sem_alloc : memref<!tpu.dma_semaphore, #tpu.memory_space<semaphore_mem>>
      %dma_start3A_48 = arith.constant 0 : i32
      %dma_start3A_49 = arith.constant 0 : i32
      %dma_start3A_50 = tpu.memref_slice %arg3[%add3A, %dma_start3A_48, %dma_start3A_49] : memref<32x80x128xi32, #tpu.memory_space<hbm>> -> memref<1x40x128xi32, #tpu.memory_space<hbm>>
      %dma_start3A_51 = tpu.memref_squeeze %dma_start3A_50 : memref<1x40x128xi32, #tpu.memory_space<hbm>> -> memref<40x128xi32, #tpu.memory_space<hbm>>
      %dma_start3A_52 = arith.constant 0 : i32
      %dma_start3A_53 = arith.constant 0 : i32
      %dma_start3A_54 = tpu.memref_slice %arg3[%add3A, %dma_start3A_52, %dma_start3A_53] : memref<32x80x128xi32, #tpu.memory_space<hbm>> -> memref<1x40x128xi32, #tpu.memory_space<hbm>>
      %dma_start3A_55 = tpu.memref_squeeze %dma_start3A_54 : memref<1x40x128xi32, #tpu.memory_space<hbm>> -> memref<40x128xi32, #tpu.memory_space<hbm>>
      tpu.enqueue_dma source(%dma_start3A_55 : memref<40x128xi32, #tpu.memory_space<hbm>>) target(%arg7 : memref<40x128xi32, #tpu.memory_space<vmem>>) target_semaphore(%run_scoped3A : memref<!tpu.dma_semaphore, #tpu.memory_space<semaphore_mem>>)
      %dma_wait3A = arith.constant 0 : i32
      %dma_wait3A_56 = arith.constant 0 : i32
      %dma_wait3A_57 = tpu.memref_slice %arg3[%add3A, %dma_wait3A, %dma_wait3A_56] : memref<32x80x128xi32, #tpu.memory_space<hbm>> -> memref<1x40x128xi32, #tpu.memory_space<hbm>>
      %dma_wait3A_58 = tpu.memref_squeeze %dma_wait3A_57 : memref<1x40x128xi32, #tpu.memory_space<hbm>> -> memref<40x128xi32, #tpu.memory_space<hbm>>
      %dma_wait3A_59 = arith.constant 0 : i32
      %dma_wait3A_60 = arith.constant 0 : i32
      %dma_wait3A_61 = tpu.memref_slice %arg3[%add3A, %dma_wait3A_59, %dma_wait3A_60] : memref<32x80x128xi32, #tpu.memory_space<hbm>> -> memref<1x40x128xi32, #tpu.memory_space<hbm>>
      %dma_wait3A_62 = tpu.memref_squeeze %dma_wait3A_61 : memref<1x40x128xi32, #tpu.memory_space<hbm>> -> memref<40x128xi32, #tpu.memory_space<hbm>>
      tpu.wait_dma2 semaphore(%run_scoped3A : memref<!tpu.dma_semaphore, #tpu.memory_space<semaphore_mem>>) src(%dma_wait3A_62 : memref<40x128xi32, #tpu.memory_space<hbm>>) dst(%arg7 : memref<40x128xi32, #tpu.memory_space<vmem>>)
      tpu.yield
    }) : () -> ()
    "tpu.region"() ({
      %run_scoped3A = tpu.sem_alloc : memref<!tpu.dma_semaphore, #tpu.memory_space<semaphore_mem>>
      %dma_start3A_48 = arith.constant 0 : i32
      %dma_start3A_49 = arith.constant 0 : i32
      %dma_start3A_50 = tpu.memref_slice %arg4[%add3A, %dma_start3A_48, %dma_start3A_49] : memref<32x80x128xi32, #tpu.memory_space<hbm>> -> memref<1x40x128xi32, #tpu.memory_space<hbm>>
      %dma_start3A_51 = tpu.memref_squeeze %dma_start3A_50 : memref<1x40x128xi32, #tpu.memory_space<hbm>> -> memref<40x128xi32, #tpu.memory_space<hbm>>
      %dma_start3A_52 = arith.constant 0 : i32
      %dma_start3A_53 = arith.constant 0 : i32
      %dma_start3A_54 = tpu.memref_slice %arg4[%add3A, %dma_start3A_52, %dma_start3A_53] : memref<32x80x128xi32, #tpu.memory_space<hbm>> -> memref<1x40x128xi32, #tpu.memory_space<hbm>>
      %dma_start3A_55 = tpu.memref_squeeze %dma_start3A_54 : memref<1x40x128xi32, #tpu.memory_space<hbm>> -> memref<40x128xi32, #tpu.memory_space<hbm>>
      tpu.enqueue_dma source(%dma_start3A_55 : memref<40x128xi32, #tpu.memory_space<hbm>>) target(%arg8 : memref<40x128xi32, #tpu.memory_space<vmem>>) target_semaphore(%run_scoped3A : memref<!tpu.dma_semaphore, #tpu.memory_space<semaphore_mem>>)
      %dma_wait3A = arith.constant 0 : i32
      %dma_wait3A_56 = arith.constant 0 : i32
      %dma_wait3A_57 = tpu.memref_slice %arg4[%add3A, %dma_wait3A, %dma_wait3A_56] : memref<32x80x128xi32, #tpu.memory_space<hbm>> -> memref<1x40x128xi32, #tpu.memory_space<hbm>>
      %dma_wait3A_58 = tpu.memref_squeeze %dma_wait3A_57 : memref<1x40x128xi32, #tpu.memory_space<hbm>> -> memref<40x128xi32, #tpu.memory_space<hbm>>
      %dma_wait3A_59 = arith.constant 0 : i32
      %dma_wait3A_60 = arith.constant 0 : i32
      %dma_wait3A_61 = tpu.memref_slice %arg4[%add3A, %dma_wait3A_59, %dma_wait3A_60] : memref<32x80x128xi32, #tpu.memory_space<hbm>> -> memref<1x40x128xi32, #tpu.memory_space<hbm>>
      %dma_wait3A_62 = tpu.memref_squeeze %dma_wait3A_61 : memref<1x40x128xi32, #tpu.memory_space<hbm>> -> memref<40x128xi32, #tpu.memory_space<hbm>>
      tpu.wait_dma2 semaphore(%run_scoped3A : memref<!tpu.dma_semaphore, #tpu.memory_space<semaphore_mem>>) src(%dma_wait3A_62 : memref<40x128xi32, #tpu.memory_space<hbm>>) dst(%arg8 : memref<40x128xi32, #tpu.memory_space<vmem>>)
      tpu.yield
    }) : () -> ()
    %dma_start3A = arith.constant 0 : i32
    %dma_start3A_5 = arith.constant 0 : i32
    %dma_start3A_6 = tpu.memref_slice %arg7[%dma_start3A, %dma_start3A_5] : memref<40x128xi32, #tpu.memory_space<vmem>> -> memref<1x128xi32, #tpu.memory_space<vmem>>
    %dma_start3A_7 = tpu.memref_squeeze %dma_start3A_6 : memref<1x128xi32, #tpu.memory_space<vmem>> -> memref<128xi32, #tpu.memory_space<vmem>>
    %dma_start3A_8 = arith.constant 0 : i32
    %dma_start3A_9 = arith.constant 0 : i32
    %dma_start3A_10 = tpu.memref_slice %arg2[%dma_start3A_8, %dma_start3A_9] : memref<10112x128xf32, #tpu.memory_space<hbm>> -> memref<10112x128xf32, #tpu.memory_space<hbm>>
    tpu.enqueue_indirect_dma source(%dma_start3A_10 : memref<10112x128xf32, #tpu.memory_space<hbm>>) target(%arg9 : memref<128x128xf32, #tpu.memory_space<vmem>>) offsets(%dma_start3A_7 : memref<128xi32, #tpu.memory_space<vmem>>) semaphore(%arg11 : memref<!tpu.dma_semaphore, #tpu.memory_space<semaphore_mem>>)
    %dma_start3A_11 = arith.constant 1 : i32
    %dma_start3A_12 = arith.constant 0 : i32
    %dma_start3A_13 = tpu.memref_slice %arg7[%dma_start3A_11, %dma_start3A_12] : memref<40x128xi32, #tpu.memory_space<vmem>> -> memref<1x128xi32, #tpu.memory_space<vmem>>
    %dma_start3A_14 = tpu.memref_squeeze %dma_start3A_13 : memref<1x128xi32, #tpu.memory_space<vmem>> -> memref<128xi32, #tpu.memory_space<vmem>>
    %dma_start3A_15 = arith.constant 0 : i32
    %dma_start3A_16 = arith.constant 0 : i32
    %dma_start3A_17 = tpu.memref_slice %arg2[%dma_start3A_15, %dma_start3A_16] : memref<10112x128xf32, #tpu.memory_space<hbm>> -> memref<10112x128xf32, #tpu.memory_space<hbm>>
    tpu.enqueue_indirect_dma source(%dma_start3A_17 : memref<10112x128xf32, #tpu.memory_space<hbm>>) target(%arg10 : memref<128x128xf32, #tpu.memory_space<vmem>>) offsets(%dma_start3A_14 : memref<128xi32, #tpu.memory_space<vmem>>) semaphore(%arg12 : memref<!tpu.dma_semaphore, #tpu.memory_space<semaphore_mem>>)
    %scan3A = arith.constant 0 : i32
    %scan3A_18 = arith.constant 0 : i32
    %scan3A_19 = arith.constant 20 : i32
    %scan3A_20 = arith.addi %scan3A_18, %scan3A_19 : i32
    %scan3A_21 = arith.constant 1 : i32
    scf.for %scan3A_48 = %scan3A_18 to %scan3A_20 step %scan3A_21  : i32 {
      %mul3A_49 = arith.constant 2 : i32
      %mul3A_50 = arith.muli %mul3A_49, %scan3A_48 : i32
      %dma_wait3A = arith.constant 0 : i32
      %dma_wait3A_51 = tpu.memref_slice %arg7[%mul3A_50, %dma_wait3A] : memref<40x128xi32, #tpu.memory_space<vmem>> -> memref<1x128xi32, #tpu.memory_space<vmem>>
      %dma_wait3A_52 = tpu.memref_squeeze %dma_wait3A_51 : memref<1x128xi32, #tpu.memory_space<vmem>> -> memref<128xi32, #tpu.memory_space<vmem>>
      %dma_wait3A_53 = arith.constant 0 : i32
      %dma_wait3A_54 = arith.constant 0 : i32
      %dma_wait3A_55 = tpu.memref_slice %arg2[%dma_wait3A_53, %dma_wait3A_54] : memref<10112x128xf32, #tpu.memory_space<hbm>> -> memref<10112x128xf32, #tpu.memory_space<hbm>>
      tpu.wait_indirect_dma semaphore(%arg11 : memref<!tpu.dma_semaphore, #tpu.memory_space<semaphore_mem>>) src(%dma_wait3A_55 : memref<10112x128xf32, #tpu.memory_space<hbm>>) dst(%arg9 : memref<128x128xf32, #tpu.memory_space<vmem>>)
      "tpu.region"() ({
        %run_scoped3A = tpu.sem_alloc : memref<!tpu.dma_semaphore, #tpu.memory_space<semaphore_mem>>
        %dma_start3A_75 = arith.constant 0 : i32
        %dma_start3A_76 = tpu.memref_slice %arg8[%mul3A_50, %dma_start3A_75] : memref<40x128xi32, #tpu.memory_space<vmem>> -> memref<1x128xi32, #tpu.memory_space<vmem>>
        %dma_start3A_77 = tpu.memref_squeeze %dma_start3A_76 : memref<1x128xi32, #tpu.memory_space<vmem>> -> memref<128xi32, #tpu.memory_space<vmem>>
        %dma_start3A_78 = arith.constant 0 : i32
        %dma_start3A_79 = arith.constant 0 : i32
        %dma_start3A_80 = tpu.memref_slice %arg13[%dma_start3A_78, %dma_start3A_79] : memref<10112x128xf32, #tpu.memory_space<vmem_shared>> -> memref<10112x128xf32, #tpu.memory_space<vmem_shared>>
        tpu.enqueue_indirect_dma source(%arg9 : memref<128x128xf32, #tpu.memory_space<vmem>>) target(%dma_start3A_80 : memref<10112x128xf32, #tpu.memory_space<vmem_shared>>) offsets(%dma_start3A_77 : memref<128xi32, #tpu.memory_space<vmem>>) semaphore(%run_scoped3A : memref<!tpu.dma_semaphore, #tpu.memory_space<semaphore_mem>>) {add = true}
        %dma_wait3A_81 = arith.constant 0 : i32
        %dma_wait3A_82 = tpu.memref_slice %arg8[%mul3A_50, %dma_wait3A_81] : memref<40x128xi32, #tpu.memory_space<vmem>> -> memref<1x128xi32, #tpu.memory_space<vmem>>
        %dma_wait3A_83 = tpu.memref_squeeze %dma_wait3A_82 : memref<1x128xi32, #tpu.memory_space<vmem>> -> memref<128xi32, #tpu.memory_space<vmem>>
        %dma_wait3A_84 = arith.constant 0 : i32
        %dma_wait3A_85 = arith.constant 0 : i32
        %dma_wait3A_86 = tpu.memref_slice %arg13[%dma_wait3A_84, %dma_wait3A_85] : memref<10112x128xf32, #tpu.memory_space<vmem_shared>> -> memref<10112x128xf32, #tpu.memory_space<vmem_shared>>
        tpu.wait_indirect_dma semaphore(%run_scoped3A : memref<!tpu.dma_semaphore, #tpu.memory_space<semaphore_mem>>) src(%arg9 : memref<128x128xf32, #tpu.memory_space<vmem>>) dst(%dma_wait3A_86 : memref<10112x128xf32, #tpu.memory_space<vmem_shared>>)
        tpu.yield
      }) : () -> ()
      %add3A_56 = arith.constant 2 : i32
      %add3A_57 = arith.addi %mul3A_50, %add3A_56 : i32
      %lt3A = arith.constant 40 : i32
      %lt3A_58 = arith.cmpi slt, %add3A_57, %lt3A : i32
      %convert_element_type3A = arith.extui %lt3A_58 : i1 to i32
      %cond3A = arith.constant 0 : i32
      %cond3A_59 = arith.cmpi ne, %convert_element_type3A, %cond3A : i32
      scf.if %cond3A_59 {
        %add3A_75 = arith.constant 2 : i32
        %add3A_76 = arith.addi %mul3A_50, %add3A_75 : i32
        %dma_start3A_77 = arith.constant 0 : i32
        %dma_start3A_78 = tpu.memref_slice %arg7[%add3A_76, %dma_start3A_77] : memref<40x128xi32, #tpu.memory_space<vmem>> -> memref<1x128xi32, #tpu.memory_space<vmem>>
        %dma_start3A_79 = tpu.memref_squeeze %dma_start3A_78 : memref<1x128xi32, #tpu.memory_space<vmem>> -> memref<128xi32, #tpu.memory_space<vmem>>
        %dma_start3A_80 = arith.constant 0 : i32
        %dma_start3A_81 = arith.constant 0 : i32
        %dma_start3A_82 = tpu.memref_slice %arg2[%dma_start3A_80, %dma_start3A_81] : memref<10112x128xf32, #tpu.memory_space<hbm>> -> memref<10112x128xf32, #tpu.memory_space<hbm>>
        tpu.enqueue_indirect_dma source(%dma_start3A_82 : memref<10112x128xf32, #tpu.memory_space<hbm>>) target(%arg9 : memref<128x128xf32, #tpu.memory_space<vmem>>) offsets(%dma_start3A_79 : memref<128xi32, #tpu.memory_space<vmem>>) semaphore(%arg11 : memref<!tpu.dma_semaphore, #tpu.memory_space<semaphore_mem>>)
      } else {
      }
      %add3A_60 = arith.constant 1 : i32
      %add3A_61 = arith.addi %mul3A_50, %add3A_60 : i32
      %dma_wait3A_62 = arith.constant 0 : i32
      %dma_wait3A_63 = tpu.memref_slice %arg7[%add3A_61, %dma_wait3A_62] : memref<40x128xi32, #tpu.memory_space<vmem>> -> memref<1x128xi32, #tpu.memory_space<vmem>>
      %dma_wait3A_64 = tpu.memref_squeeze %dma_wait3A_63 : memref<1x128xi32, #tpu.memory_space<vmem>> -> memref<128xi32, #tpu.memory_space<vmem>>
      %dma_wait3A_65 = arith.constant 0 : i32
      %dma_wait3A_66 = arith.constant 0 : i32
      %dma_wait3A_67 = tpu.memref_slice %arg2[%dma_wait3A_65, %dma_wait3A_66] : memref<10112x128xf32, #tpu.memory_space<hbm>> -> memref<10112x128xf32, #tpu.memory_space<hbm>>
      tpu.wait_indirect_dma semaphore(%arg12 : memref<!tpu.dma_semaphore, #tpu.memory_space<semaphore_mem>>) src(%dma_wait3A_67 : memref<10112x128xf32, #tpu.memory_space<hbm>>) dst(%arg10 : memref<128x128xf32, #tpu.memory_space<vmem>>)
      "tpu.region"() ({
        %run_scoped3A = tpu.sem_alloc : memref<!tpu.dma_semaphore, #tpu.memory_space<semaphore_mem>>
        %dma_start3A_75 = arith.constant 0 : i32
        %dma_start3A_76 = tpu.memref_slice %arg8[%add3A_61, %dma_start3A_75] : memref<40x128xi32, #tpu.memory_space<vmem>> -> memref<1x128xi32, #tpu.memory_space<vmem>>
        %dma_start3A_77 = tpu.memref_squeeze %dma_start3A_76 : memref<1x128xi32, #tpu.memory_space<vmem>> -> memref<128xi32, #tpu.memory_space<vmem>>
        %dma_start3A_78 = arith.constant 0 : i32
        %dma_start3A_79 = arith.constant 0 : i32
        %dma_start3A_80 = tpu.memref_slice %arg13[%dma_start3A_78, %dma_start3A_79] : memref<10112x128xf32, #tpu.memory_space<vmem_shared>> -> memref<10112x128xf32, #tpu.memory_space<vmem_shared>>
        tpu.enqueue_indirect_dma source(%arg10 : memref<128x128xf32, #tpu.memory_space<vmem>>) target(%dma_start3A_80 : memref<10112x128xf32, #tpu.memory_space<vmem_shared>>) offsets(%dma_start3A_77 : memref<128xi32, #tpu.memory_space<vmem>>) semaphore(%run_scoped3A : memref<!tpu.dma_semaphore, #tpu.memory_space<semaphore_mem>>) {add = true}
        %dma_wait3A_81 = arith.constant 0 : i32
        %dma_wait3A_82 = tpu.memref_slice %arg8[%add3A_61, %dma_wait3A_81] : memref<40x128xi32, #tpu.memory_space<vmem>> -> memref<1x128xi32, #tpu.memory_space<vmem>>
        %dma_wait3A_83 = tpu.memref_squeeze %dma_wait3A_82 : memref<1x128xi32, #tpu.memory_space<vmem>> -> memref<128xi32, #tpu.memory_space<vmem>>
        %dma_wait3A_84 = arith.constant 0 : i32
        %dma_wait3A_85 = arith.constant 0 : i32
        %dma_wait3A_86 = tpu.memref_slice %arg13[%dma_wait3A_84, %dma_wait3A_85] : memref<10112x128xf32, #tpu.memory_space<vmem_shared>> -> memref<10112x128xf32, #tpu.memory_space<vmem_shared>>
        tpu.wait_indirect_dma semaphore(%run_scoped3A : memref<!tpu.dma_semaphore, #tpu.memory_space<semaphore_mem>>) src(%arg10 : memref<128x128xf32, #tpu.memory_space<vmem>>) dst(%dma_wait3A_86 : memref<10112x128xf32, #tpu.memory_space<vmem_shared>>)
        tpu.yield
      }) : () -> ()
      %add3A_68 = arith.constant 2 : i32
      %add3A_69 = arith.addi %add3A_61, %add3A_68 : i32
      %lt3A_70 = arith.constant 40 : i32
      %lt3A_71 = arith.cmpi slt, %add3A_69, %lt3A_70 : i32
      %convert_element_type3A_72 = arith.extui %lt3A_71 : i1 to i32
      %cond3A_73 = arith.constant 0 : i32
      %cond3A_74 = arith.cmpi ne, %convert_element_type3A_72, %cond3A_73 : i32
      scf.if %cond3A_74 {
        %add3A_75 = arith.constant 2 : i32
        %add3A_76 = arith.addi %add3A_61, %add3A_75 : i32
        %dma_start3A_77 = arith.constant 0 : i32
        %dma_start3A_78 = tpu.memref_slice %arg7[%add3A_76, %dma_start3A_77] : memref<40x128xi32, #tpu.memory_space<vmem>> -> memref<1x128xi32, #tpu.memory_space<vmem>>
        %dma_start3A_79 = tpu.memref_squeeze %dma_start3A_78 : memref<1x128xi32, #tpu.memory_space<vmem>> -> memref<128xi32, #tpu.memory_space<vmem>>
        %dma_start3A_80 = arith.constant 0 : i32
        %dma_start3A_81 = arith.constant 0 : i32
        %dma_start3A_82 = tpu.memref_slice %arg2[%dma_start3A_80, %dma_start3A_81] : memref<10112x128xf32, #tpu.memory_space<hbm>> -> memref<10112x128xf32, #tpu.memory_space<hbm>>
        tpu.enqueue_indirect_dma source(%dma_start3A_82 : memref<10112x128xf32, #tpu.memory_space<hbm>>) target(%arg10 : memref<128x128xf32, #tpu.memory_space<vmem>>) offsets(%dma_start3A_79 : memref<128xi32, #tpu.memory_space<vmem>>) semaphore(%arg12 : memref<!tpu.dma_semaphore, #tpu.memory_space<semaphore_mem>>)
      } else {
      }
    }
    %scan3A_22 = arith.constant 20 : i32
    "tpu.region"() ({
      %run_scoped3A = tpu.sem_alloc : memref<!tpu.dma_semaphore, #tpu.memory_space<semaphore_mem>>
      %dma_start3A_48 = arith.constant 40 : i32
      %dma_start3A_49 = arith.constant 0 : i32
      %dma_start3A_50 = tpu.memref_slice %arg3[%add3A, %dma_start3A_48, %dma_start3A_49] : memref<32x80x128xi32, #tpu.memory_space<hbm>> -> memref<1x40x128xi32, #tpu.memory_space<hbm>>
      %dma_start3A_51 = tpu.memref_squeeze %dma_start3A_50 : memref<1x40x128xi32, #tpu.memory_space<hbm>> -> memref<40x128xi32, #tpu.memory_space<hbm>>
      %dma_start3A_52 = arith.constant 40 : i32
      %dma_start3A_53 = arith.constant 0 : i32
      %dma_start3A_54 = tpu.memref_slice %arg3[%add3A, %dma_start3A_52, %dma_start3A_53] : memref<32x80x128xi32, #tpu.memory_space<hbm>> -> memref<1x40x128xi32, #tpu.memory_space<hbm>>
      %dma_start3A_55 = tpu.memref_squeeze %dma_start3A_54 : memref<1x40x128xi32, #tpu.memory_space<hbm>> -> memref<40x128xi32, #tpu.memory_space<hbm>>
      tpu.enqueue_dma source(%dma_start3A_55 : memref<40x128xi32, #tpu.memory_space<hbm>>) target(%arg7 : memref<40x128xi32, #tpu.memory_space<vmem>>) target_semaphore(%run_scoped3A : memref<!tpu.dma_semaphore, #tpu.memory_space<semaphore_mem>>)
      %dma_wait3A = arith.constant 40 : i32
      %dma_wait3A_56 = arith.constant 0 : i32
      %dma_wait3A_57 = tpu.memref_slice %arg3[%add3A, %dma_wait3A, %dma_wait3A_56] : memref<32x80x128xi32, #tpu.memory_space<hbm>> -> memref<1x40x128xi32, #tpu.memory_space<hbm>>
      %dma_wait3A_58 = tpu.memref_squeeze %dma_wait3A_57 : memref<1x40x128xi32, #tpu.memory_space<hbm>> -> memref<40x128xi32, #tpu.memory_space<hbm>>
      %dma_wait3A_59 = arith.constant 40 : i32
      %dma_wait3A_60 = arith.constant 0 : i32
      %dma_wait3A_61 = tpu.memref_slice %arg3[%add3A, %dma_wait3A_59, %dma_wait3A_60] : memref<32x80x128xi32, #tpu.memory_space<hbm>> -> memref<1x40x128xi32, #tpu.memory_space<hbm>>
      %dma_wait3A_62 = tpu.memref_squeeze %dma_wait3A_61 : memref<1x40x128xi32, #tpu.memory_space<hbm>> -> memref<40x128xi32, #tpu.memory_space<hbm>>
      tpu.wait_dma2 semaphore(%run_scoped3A : memref<!tpu.dma_semaphore, #tpu.memory_space<semaphore_mem>>) src(%dma_wait3A_62 : memref<40x128xi32, #tpu.memory_space<hbm>>) dst(%arg7 : memref<40x128xi32, #tpu.memory_space<vmem>>)
      tpu.yield
    }) : () -> ()
    "tpu.region"() ({
      %run_scoped3A = tpu.sem_alloc : memref<!tpu.dma_semaphore, #tpu.memory_space<semaphore_mem>>
      %dma_start3A_48 = arith.constant 40 : i32
      %dma_start3A_49 = arith.constant 0 : i32
      %dma_start3A_50 = tpu.memref_slice %arg4[%add3A, %dma_start3A_48, %dma_start3A_49] : memref<32x80x128xi32, #tpu.memory_space<hbm>> -> memref<1x40x128xi32, #tpu.memory_space<hbm>>
      %dma_start3A_51 = tpu.memref_squeeze %dma_start3A_50 : memref<1x40x128xi32, #tpu.memory_space<hbm>> -> memref<40x128xi32, #tpu.memory_space<hbm>>
      %dma_start3A_52 = arith.constant 40 : i32
      %dma_start3A_53 = arith.constant 0 : i32
      %dma_start3A_54 = tpu.memref_slice %arg4[%add3A, %dma_start3A_52, %dma_start3A_53] : memref<32x80x128xi32, #tpu.memory_space<hbm>> -> memref<1x40x128xi32, #tpu.memory_space<hbm>>
      %dma_start3A_55 = tpu.memref_squeeze %dma_start3A_54 : memref<1x40x128xi32, #tpu.memory_space<hbm>> -> memref<40x128xi32, #tpu.memory_space<hbm>>
      tpu.enqueue_dma source(%dma_start3A_55 : memref<40x128xi32, #tpu.memory_space<hbm>>) target(%arg8 : memref<40x128xi32, #tpu.memory_space<vmem>>) target_semaphore(%run_scoped3A : memref<!tpu.dma_semaphore, #tpu.memory_space<semaphore_mem>>)
      %dma_wait3A = arith.constant 40 : i32
      %dma_wait3A_56 = arith.constant 0 : i32
      %dma_wait3A_57 = tpu.memref_slice %arg4[%add3A, %dma_wait3A, %dma_wait3A_56] : memref<32x80x128xi32, #tpu.memory_space<hbm>> -> memref<1x40x128xi32, #tpu.memory_space<hbm>>
      %dma_wait3A_58 = tpu.memref_squeeze %dma_wait3A_57 : memref<1x40x128xi32, #tpu.memory_space<hbm>> -> memref<40x128xi32, #tpu.memory_space<hbm>>
      %dma_wait3A_59 = arith.constant 40 : i32
      %dma_wait3A_60 = arith.constant 0 : i32
      %dma_wait3A_61 = tpu.memref_slice %arg4[%add3A, %dma_wait3A_59, %dma_wait3A_60] : memref<32x80x128xi32, #tpu.memory_space<hbm>> -> memref<1x40x128xi32, #tpu.memory_space<hbm>>
      %dma_wait3A_62 = tpu.memref_squeeze %dma_wait3A_61 : memref<1x40x128xi32, #tpu.memory_space<hbm>> -> memref<40x128xi32, #tpu.memory_space<hbm>>
      tpu.wait_dma2 semaphore(%run_scoped3A : memref<!tpu.dma_semaphore, #tpu.memory_space<semaphore_mem>>) src(%dma_wait3A_62 : memref<40x128xi32, #tpu.memory_space<hbm>>) dst(%arg8 : memref<40x128xi32, #tpu.memory_space<vmem>>)
      tpu.yield
    }) : () -> ()
    %dma_start3A_23 = arith.constant 0 : i32
    %dma_start3A_24 = arith.constant 0 : i32
    %dma_start3A_25 = tpu.memref_slice %arg7[%dma_start3A_23, %dma_start3A_24] : memref<40x128xi32, #tpu.memory_space<vmem>> -> memref<1x128xi32, #tpu.memory_space<vmem>>
    %dma_start3A_26 = tpu.memref_squeeze %dma_start3A_25 : memref<1x128xi32, #tpu.memory_space<vmem>> -> memref<128xi32, #tpu.memory_space<vmem>>
    %dma_start3A_27 = arith.constant 0 : i32
    %dma_start3A_28 = arith.constant 0 : i32
    %dma_start3A_29 = tpu.memref_slice %arg2[%dma_start3A_27, %dma_start3A_28] : memref<10112x128xf32, #tpu.memory_space<hbm>> -> memref<10112x128xf32, #tpu.memory_space<hbm>>
    tpu.enqueue_indirect_dma source(%dma_start3A_29 : memref<10112x128xf32, #tpu.memory_space<hbm>>) target(%arg9 : memref<128x128xf32, #tpu.memory_space<vmem>>) offsets(%dma_start3A_26 : memref<128xi32, #tpu.memory_space<vmem>>) semaphore(%arg11 : memref<!tpu.dma_semaphore, #tpu.memory_space<semaphore_mem>>)
    %dma_start3A_30 = arith.constant 1 : i32
    %dma_start3A_31 = arith.constant 0 : i32
    %dma_start3A_32 = tpu.memref_slice %arg7[%dma_start3A_30, %dma_start3A_31] : memref<40x128xi32, #tpu.memory_space<vmem>> -> memref<1x128xi32, #tpu.memory_space<vmem>>
    %dma_start3A_33 = tpu.memref_squeeze %dma_start3A_32 : memref<1x128xi32, #tpu.memory_space<vmem>> -> memref<128xi32, #tpu.memory_space<vmem>>
    %dma_start3A_34 = arith.constant 0 : i32
    %dma_start3A_35 = arith.constant 0 : i32
    %dma_start3A_36 = tpu.memref_slice %arg2[%dma_start3A_34, %dma_start3A_35] : memref<10112x128xf32, #tpu.memory_space<hbm>> -> memref<10112x128xf32, #tpu.memory_space<hbm>>
    tpu.enqueue_indirect_dma source(%dma_start3A_36 : memref<10112x128xf32, #tpu.memory_space<hbm>>) target(%arg10 : memref<128x128xf32, #tpu.memory_space<vmem>>) offsets(%dma_start3A_33 : memref<128xi32, #tpu.memory_space<vmem>>) semaphore(%arg12 : memref<!tpu.dma_semaphore, #tpu.memory_space<semaphore_mem>>)
    %scan3A_37 = arith.constant 0 : i32
    %scan3A_38 = arith.constant 0 : i32
    %scan3A_39 = arith.constant 20 : i32
    %scan3A_40 = arith.addi %scan3A_38, %scan3A_39 : i32
    %scan3A_41 = arith.constant 1 : i32
    scf.for %scan3A_48 = %scan3A_38 to %scan3A_40 step %scan3A_41  : i32 {
      %mul3A_49 = arith.constant 2 : i32
      %mul3A_50 = arith.muli %mul3A_49, %scan3A_48 : i32
      %dma_wait3A = arith.constant 0 : i32
      %dma_wait3A_51 = tpu.memref_slice %arg7[%mul3A_50, %dma_wait3A] : memref<40x128xi32, #tpu.memory_space<vmem>> -> memref<1x128xi32, #tpu.memory_space<vmem>>
      %dma_wait3A_52 = tpu.memref_squeeze %dma_wait3A_51 : memref<1x128xi32, #tpu.memory_space<vmem>> -> memref<128xi32, #tpu.memory_space<vmem>>
      %dma_wait3A_53 = arith.constant 0 : i32
      %dma_wait3A_54 = arith.constant 0 : i32
      %dma_wait3A_55 = tpu.memref_slice %arg2[%dma_wait3A_53, %dma_wait3A_54] : memref<10112x128xf32, #tpu.memory_space<hbm>> -> memref<10112x128xf32, #tpu.memory_space<hbm>>
      tpu.wait_indirect_dma semaphore(%arg11 : memref<!tpu.dma_semaphore, #tpu.memory_space<semaphore_mem>>) src(%dma_wait3A_55 : memref<10112x128xf32, #tpu.memory_space<hbm>>) dst(%arg9 : memref<128x128xf32, #tpu.memory_space<vmem>>)
      "tpu.region"() ({
        %run_scoped3A = tpu.sem_alloc : memref<!tpu.dma_semaphore, #tpu.memory_space<semaphore_mem>>
        %dma_start3A_75 = arith.constant 0 : i32
        %dma_start3A_76 = tpu.memref_slice %arg8[%mul3A_50, %dma_start3A_75] : memref<40x128xi32, #tpu.memory_space<vmem>> -> memref<1x128xi32, #tpu.memory_space<vmem>>
        %dma_start3A_77 = tpu.memref_squeeze %dma_start3A_76 : memref<1x128xi32, #tpu.memory_space<vmem>> -> memref<128xi32, #tpu.memory_space<vmem>>
        %dma_start3A_78 = arith.constant 0 : i32
        %dma_start3A_79 = arith.constant 0 : i32
        %dma_start3A_80 = tpu.memref_slice %arg13[%dma_start3A_78, %dma_start3A_79] : memref<10112x128xf32, #tpu.memory_space<vmem_shared>> -> memref<10112x128xf32, #tpu.memory_space<vmem_shared>>
        tpu.enqueue_indirect_dma source(%arg9 : memref<128x128xf32, #tpu.memory_space<vmem>>) target(%dma_start3A_80 : memref<10112x128xf32, #tpu.memory_space<vmem_shared>>) offsets(%dma_start3A_77 : memref<128xi32, #tpu.memory_space<vmem>>) semaphore(%run_scoped3A : memref<!tpu.dma_semaphore, #tpu.memory_space<semaphore_mem>>) {add = true}
        %dma_wait3A_81 = arith.constant 0 : i32
        %dma_wait3A_82 = tpu.memref_slice %arg8[%mul3A_50, %dma_wait3A_81] : memref<40x128xi32, #tpu.memory_space<vmem>> -> memref<1x128xi32, #tpu.memory_space<vmem>>
        %dma_wait3A_83 = tpu.memref_squeeze %dma_wait3A_82 : memref<1x128xi32, #tpu.memory_space<vmem>> -> memref<128xi32, #tpu.memory_space<vmem>>
        %dma_wait3A_84 = arith.constant 0 : i32
        %dma_wait3A_85 = arith.constant 0 : i32
        %dma_wait3A_86 = tpu.memref_slice %arg13[%dma_wait3A_84, %dma_wait3A_85] : memref<10112x128xf32, #tpu.memory_space<vmem_shared>> -> memref<10112x128xf32, #tpu.memory_space<vmem_shared>>
        tpu.wait_indirect_dma semaphore(%run_scoped3A : memref<!tpu.dma_semaphore, #tpu.memory_space<semaphore_mem>>) src(%arg9 : memref<128x128xf32, #tpu.memory_space<vmem>>) dst(%dma_wait3A_86 : memref<10112x128xf32, #tpu.memory_space<vmem_shared>>)
        tpu.yield
      }) : () -> ()
      %add3A_56 = arith.constant 2 : i32
      %add3A_57 = arith.addi %mul3A_50, %add3A_56 : i32
      %lt3A = arith.constant 40 : i32
      %lt3A_58 = arith.cmpi slt, %add3A_57, %lt3A : i32
      %convert_element_type3A = arith.extui %lt3A_58 : i1 to i32
      %cond3A = arith.constant 0 : i32
      %cond3A_59 = arith.cmpi ne, %convert_element_type3A, %cond3A : i32
      scf.if %cond3A_59 {
        %add3A_75 = arith.constant 2 : i32
        %add3A_76 = arith.addi %mul3A_50, %add3A_75 : i32
        %dma_start3A_77 = arith.constant 0 : i32
        %dma_start3A_78 = tpu.memref_slice %arg7[%add3A_76, %dma_start3A_77] : memref<40x128xi32, #tpu.memory_space<vmem>> -> memref<1x128xi32, #tpu.memory_space<vmem>>
        %dma_start3A_79 = tpu.memref_squeeze %dma_start3A_78 : memref<1x128xi32, #tpu.memory_space<vmem>> -> memref<128xi32, #tpu.memory_space<vmem>>
        %dma_start3A_80 = arith.constant 0 : i32
        %dma_start3A_81 = arith.constant 0 : i32
        %dma_start3A_82 = tpu.memref_slice %arg2[%dma_start3A_80, %dma_start3A_81] : memref<10112x128xf32, #tpu.memory_space<hbm>> -> memref<10112x128xf32, #tpu.memory_space<hbm>>
        tpu.enqueue_indirect_dma source(%dma_start3A_82 : memref<10112x128xf32, #tpu.memory_space<hbm>>) target(%arg9 : memref<128x128xf32, #tpu.memory_space<vmem>>) offsets(%dma_start3A_79 : memref<128xi32, #tpu.memory_space<vmem>>) semaphore(%arg11 : memref<!tpu.dma_semaphore, #tpu.memory_space<semaphore_mem>>)
      } else {
      }
      %add3A_60 = arith.constant 1 : i32
      %add3A_61 = arith.addi %mul3A_50, %add3A_60 : i32
      %dma_wait3A_62 = arith.constant 0 : i32
      %dma_wait3A_63 = tpu.memref_slice %arg7[%add3A_61, %dma_wait3A_62] : memref<40x128xi32, #tpu.memory_space<vmem>> -> memref<1x128xi32, #tpu.memory_space<vmem>>
      %dma_wait3A_64 = tpu.memref_squeeze %dma_wait3A_63 : memref<1x128xi32, #tpu.memory_space<vmem>> -> memref<128xi32, #tpu.memory_space<vmem>>
      %dma_wait3A_65 = arith.constant 0 : i32
      %dma_wait3A_66 = arith.constant 0 : i32
      %dma_wait3A_67 = tpu.memref_slice %arg2[%dma_wait3A_65, %dma_wait3A_66] : memref<10112x128xf32, #tpu.memory_space<hbm>> -> memref<10112x128xf32, #tpu.memory_space<hbm>>
      tpu.wait_indirect_dma semaphore(%arg12 : memref<!tpu.dma_semaphore, #tpu.memory_space<semaphore_mem>>) src(%dma_wait3A_67 : memref<10112x128xf32, #tpu.memory_space<hbm>>) dst(%arg10 : memref<128x128xf32, #tpu.memory_space<vmem>>)
      "tpu.region"() ({
        %run_scoped3A = tpu.sem_alloc : memref<!tpu.dma_semaphore, #tpu.memory_space<semaphore_mem>>
        %dma_start3A_75 = arith.constant 0 : i32
        %dma_start3A_76 = tpu.memref_slice %arg8[%add3A_61, %dma_start3A_75] : memref<40x128xi32, #tpu.memory_space<vmem>> -> memref<1x128xi32, #tpu.memory_space<vmem>>
        %dma_start3A_77 = tpu.memref_squeeze %dma_start3A_76 : memref<1x128xi32, #tpu.memory_space<vmem>> -> memref<128xi32, #tpu.memory_space<vmem>>
        %dma_start3A_78 = arith.constant 0 : i32
        %dma_start3A_79 = arith.constant 0 : i32
        %dma_start3A_80 = tpu.memref_slice %arg13[%dma_start3A_78, %dma_start3A_79] : memref<10112x128xf32, #tpu.memory_space<vmem_shared>> -> memref<10112x128xf32, #tpu.memory_space<vmem_shared>>
        tpu.enqueue_indirect_dma source(%arg10 : memref<128x128xf32, #tpu.memory_space<vmem>>) target(%dma_start3A_80 : memref<10112x128xf32, #tpu.memory_space<vmem_shared>>) offsets(%dma_start3A_77 : memref<128xi32, #tpu.memory_space<vmem>>) semaphore(%run_scoped3A : memref<!tpu.dma_semaphore, #tpu.memory_space<semaphore_mem>>) {add = true}
        %dma_wait3A_81 = arith.constant 0 : i32
        %dma_wait3A_82 = tpu.memref_slice %arg8[%add3A_61, %dma_wait3A_81] : memref<40x128xi32, #tpu.memory_space<vmem>> -> memref<1x128xi32, #tpu.memory_space<vmem>>
        %dma_wait3A_83 = tpu.memref_squeeze %dma_wait3A_82 : memref<1x128xi32, #tpu.memory_space<vmem>> -> memref<128xi32, #tpu.memory_space<vmem>>
        %dma_wait3A_84 = arith.constant 0 : i32
        %dma_wait3A_85 = arith.constant 0 : i32
        %dma_wait3A_86 = tpu.memref_slice %arg13[%dma_wait3A_84, %dma_wait3A_85] : memref<10112x128xf32, #tpu.memory_space<vmem_shared>> -> memref<10112x128xf32, #tpu.memory_space<vmem_shared>>
        tpu.wait_indirect_dma semaphore(%run_scoped3A : memref<!tpu.dma_semaphore, #tpu.memory_space<semaphore_mem>>) src(%arg10 : memref<128x128xf32, #tpu.memory_space<vmem>>) dst(%dma_wait3A_86 : memref<10112x128xf32, #tpu.memory_space<vmem_shared>>)
        tpu.yield
      }) : () -> ()
      %add3A_68 = arith.constant 2 : i32
      %add3A_69 = arith.addi %add3A_61, %add3A_68 : i32
      %lt3A_70 = arith.constant 40 : i32
      %lt3A_71 = arith.cmpi slt, %add3A_69, %lt3A_70 : i32
      %convert_element_type3A_72 = arith.extui %lt3A_71 : i1 to i32
      %cond3A_73 = arith.constant 0 : i32
      %cond3A_74 = arith.cmpi ne, %convert_element_type3A_72, %cond3A_73 : i32
      scf.if %cond3A_74 {
        %add3A_75 = arith.constant 2 : i32
        %add3A_76 = arith.addi %add3A_61, %add3A_75 : i32
        %dma_start3A_77 = arith.constant 0 : i32
        %dma_start3A_78 = tpu.memref_slice %arg7[%add3A_76, %dma_start3A_77] : memref<40x128xi32, #tpu.memory_space<vmem>> -> memref<1x128xi32, #tpu.memory_space<vmem>>
        %dma_start3A_79 = tpu.memref_squeeze %dma_start3A_78 : memref<1x128xi32, #tpu.memory_space<vmem>> -> memref<128xi32, #tpu.memory_space<vmem>>
        %dma_start3A_80 = arith.constant 0 : i32
        %dma_start3A_81 = arith.constant 0 : i32
        %dma_start3A_82 = tpu.memref_slice %arg2[%dma_start3A_80, %dma_start3A_81] : memref<10112x128xf32, #tpu.memory_space<hbm>> -> memref<10112x128xf32, #tpu.memory_space<hbm>>
        tpu.enqueue_indirect_dma source(%dma_start3A_82 : memref<10112x128xf32, #tpu.memory_space<hbm>>) target(%arg10 : memref<128x128xf32, #tpu.memory_space<vmem>>) offsets(%dma_start3A_79 : memref<128xi32, #tpu.memory_space<vmem>>) semaphore(%arg12 : memref<!tpu.dma_semaphore, #tpu.memory_space<semaphore_mem>>)
      } else {
      }
    }
    %scan3A_42 = arith.constant 20 : i32
    %barrier3A_43 = arith.constant 0 : index
    tpu.barrier barrier_id(%barrier3A_43)
    %mul3A_44 = arith.constant 632 : i32
    %mul3A_45 = arith.muli %arg1, %mul3A_44 : i32
    %mul3A_46 = arith.constant 632 : i32
    %mul3A_47 = arith.muli %arg1, %mul3A_46 : i32
    "tpu.region"() ({
      %run_scoped3A = tpu.sem_alloc : memref<!tpu.dma_semaphore, #tpu.memory_space<semaphore_mem>>
      %dma_start3A_48 = arith.constant 0 : i32
      %dma_start3A_49 = tpu.memref_slice %arg6[%arg0, %mul3A_47, %dma_start3A_48] : memref<2x10112x128xf32, #tpu.memory_space<hbm>> -> memref<1x632x128xf32, #tpu.memory_space<hbm>>
      %dma_start3A_50 = tpu.memref_squeeze %dma_start3A_49 : memref<1x632x128xf32, #tpu.memory_space<hbm>> -> memref<632x128xf32, #tpu.memory_space<hbm>>
      %dma_start3A_51 = arith.constant 0 : i32
      %dma_start3A_52 = tpu.memref_slice %arg13[%mul3A_45, %dma_start3A_51] : memref<10112x128xf32, #tpu.memory_space<vmem_shared>> -> memref<632x128xf32, #tpu.memory_space<vmem_shared>>
      tpu.enqueue_dma source(%dma_start3A_52 : memref<632x128xf32, #tpu.memory_space<vmem_shared>>) target(%dma_start3A_50 : memref<632x128xf32, #tpu.memory_space<hbm>>) target_semaphore(%run_scoped3A : memref<!tpu.dma_semaphore, #tpu.memory_space<semaphore_mem>>)
      %dma_wait3A = arith.constant 0 : i32
      %dma_wait3A_53 = tpu.memref_slice %arg6[%arg0, %mul3A_47, %dma_wait3A] : memref<2x10112x128xf32, #tpu.memory_space<hbm>> -> memref<1x632x128xf32, #tpu.memory_space<hbm>>
      %dma_wait3A_54 = tpu.memref_squeeze %dma_wait3A_53 : memref<1x632x128xf32, #tpu.memory_space<hbm>> -> memref<632x128xf32, #tpu.memory_space<hbm>>
      %dma_wait3A_55 = arith.constant 0 : i32
      %dma_wait3A_56 = tpu.memref_slice %arg13[%mul3A_45, %dma_wait3A_55] : memref<10112x128xf32, #tpu.memory_space<vmem_shared>> -> memref<632x128xf32, #tpu.memory_space<vmem_shared>>
      tpu.wait_dma2 semaphore(%run_scoped3A : memref<!tpu.dma_semaphore, #tpu.memory_space<semaphore_mem>>) src(%dma_wait3A_56 : memref<632x128xf32, #tpu.memory_space<vmem_shared>>) dst(%dma_wait3A_54 : memref<632x128xf32, #tpu.memory_space<hbm>>)
      tpu.yield
    }) : () -> ()
    return
  }
}

module attributes {stable_mosaic.version = 14 : i64} {
  func.func @_matmul_body(%arg0: i32, %arg1: memref<2528x128xf32, #tpu.memory_space<vmem>>, %arg2: memref<128x128xf32, #tpu.memory_space<vmem>>, %arg3: memref<2528x128xf32, #tpu.memory_space<vmem>>) attributes {dimension_semantics = [#tpu.dimension_semantics<arbitrary>], iteration_bounds = array<i64: 4>, scalar_prefetch = 0 : i64, scratch_operands = 0 : i64, tpu.core_type = #tpu.core_type<tc>, window_params = [{transform_indices = @transform_0, window_bounds = array<i64: 2528, 128>}, {pipeline_mode = #tpu.pipeline_mode<synchronous>, transform_indices = @transform_1, window_bounds = array<i64: 128, 128>}, {transform_indices = @transform_2, window_bounds = array<i64: 2528, 128>}]} {
    %get3A = arith.constant 0 : index
    %get3A_0 = arith.constant 0 : index
    %get3A_1 = vector.load %arg1[%get3A, %get3A_0] : memref<2528x128xf32, #tpu.memory_space<vmem>>, vector<2528x128xf32>
    %get3A_2 = arith.constant 0 : index
    %get3A_3 = arith.constant 0 : index
    %get3A_4 = vector.load %arg2[%get3A_2, %get3A_3] : memref<128x128xf32, #tpu.memory_space<vmem>>, vector<128x128xf32>
    %dot_general3A = arith.constant dense<0.000000e+00> : vector<2528x128xf32>
    %dot_general3A_5 = tpu.matmul %get3A_1, %get3A_4, %dot_general3A {dimension_numbers = #tpu.dot_dimension_numbers<[1], [0], [0], [1], [0, 0, 1, 1], [], []>, transpose_lhs_hint = false} : vector<2528x128xf32>, vector<128x128xf32>, vector<2528x128xf32> -> vector<2528x128xf32>
    %swap3A = arith.constant 0 : index
    %swap3A_6 = arith.constant 0 : index
    %swap3A_7 = vector.load %arg3[%swap3A, %swap3A_6] : memref<2528x128xf32, #tpu.memory_space<vmem>>, vector<2528x128xf32>
    tpu.vector_store %arg3[%swap3A, %swap3A_6], %dot_general3A_5 {strides = array<i32>} : memref<2528x128xf32, #tpu.memory_space<vmem>>, vector<2528x128xf32>,
    return
  }
  func.func @transform_0(%arg0: i32) -> (i32, i32) {
    %c0_i32 = arith.constant 0 : i32
    %c0_i32_0 = arith.constant 0 : i32
    return %arg0, %c0_i32 : i32, i32
  }
  func.func @transform_1(%arg0: i32) -> (i32, i32) {
    %c0_i32 = arith.constant 0 : i32
    %c0_i32_0 = arith.constant 0 : i32
    %c0_i32_1 = arith.constant 0 : i32
    return %c0_i32, %c0_i32_0 : i32, i32
  }
  func.func @transform_2(%arg0: i32) -> (i32, i32) {
    %c0_i32 = arith.constant 0 : i32
    %c0_i32_0 = arith.constant 0 : i32
    return %arg0, %c0_i32 : i32, i32
  }
}

module attributes {stable_mosaic.version = 14 : i64} {
  func.func @_scale_body(%arg0: i32, %arg1: memref<2528x128xf32, #tpu.memory_space<vmem>>, %arg2: memref<2x2528x128xf32, #tpu.memory_space<vmem>>, %arg3: memref<2528x128xf32, #tpu.memory_space<vmem>>, %arg4: memref<2528x16xf32, #tpu.memory_space<vmem>>) attributes {dimension_semantics = [#tpu.dimension_semantics<arbitrary>], iteration_bounds = array<i64: 4>, scalar_prefetch = 0 : i64, scratch_operands = 0 : i64, tpu.core_type = #tpu.core_type<tc>, window_params = [{transform_indices = @transform_0, window_bounds = array<i64: 2528, 128>}, {transform_indices = @transform_1, window_bounds = array<i64: 2, 2528, 128>}, {transform_indices = @transform_2, window_bounds = array<i64: 2528, 128>}, {transform_indices = @transform_3, window_bounds = array<i64: 2528, 16>}]} {
    %get3A = arith.constant 0 : index
    %get3A_0 = arith.constant 0 : index
    %get3A_1 = arith.constant 0 : index
    %get3A_2 = vector.load %arg2[%get3A, %get3A_0, %get3A_1] : memref<2x2528x128xf32, #tpu.memory_space<vmem>>, vector<1x2528x1xf32>
    %get3A_3 = vector.shape_cast %get3A_2 : vector<1x2528x1xf32> to vector<2528x1xf32>
    %get3A_4 = arith.constant 1 : index
    %get3A_5 = arith.constant 0 : index
    %get3A_6 = arith.constant 0 : index
    %get3A_7 = vector.load %arg2[%get3A_4, %get3A_5, %get3A_6] : memref<2x2528x128xf32, #tpu.memory_space<vmem>>, vector<1x2528x1xf32>
    %get3A_8 = vector.shape_cast %get3A_7 : vector<1x2528x1xf32> to vector<2528x1xf32>
    %add3A = arith.addf %get3A_3, %get3A_8 : vector<2528x1xf32>
    %add3A_9 = arith.constant 1.000000e+00 : f32
    %add3A_10 = vector.broadcast %add3A_9 : f32 to vector<2528x1xf32>
    %add3A_11 = arith.addf %add3A, %add3A_10 : vector<2528x1xf32>
    %rsqrt3A = math.rsqrt %add3A_11 : vector<2528x1xf32>
    %get3A_12 = arith.constant 0 : index
    %get3A_13 = arith.constant 0 : index
    %get3A_14 = vector.load %arg1[%get3A_12, %get3A_13] : memref<2528x128xf32, #tpu.memory_space<vmem>>, vector<2528x128xf32>
    %mul3A = vector.broadcast %rsqrt3A : vector<2528x1xf32> to vector<2528x128xf32>
    %mul3A_15 = arith.mulf %get3A_14, %mul3A : vector<2528x128xf32>
    %swap3A = arith.constant 0 : index
    %swap3A_16 = arith.constant 0 : index
    %swap3A_17 = vector.load %arg3[%swap3A, %swap3A_16] : memref<2528x128xf32, #tpu.memory_space<vmem>>, vector<2528x128xf32>
    tpu.vector_store %arg3[%swap3A, %swap3A_16], %mul3A_15 {strides = array<i32>} : memref<2528x128xf32, #tpu.memory_space<vmem>>, vector<2528x128xf32>,
    %broadcast_in_dim3A = vector.shape_cast %rsqrt3A : vector<2528x1xf32> to vector<2528x1xf32>
    %broadcast_in_dim3A_18 = vector.broadcast %broadcast_in_dim3A : vector<2528x1xf32> to vector<2528x16xf32>
    %swap3A_19 = arith.constant 0 : index
    %swap3A_20 = arith.constant 0 : index
    %swap3A_21 = vector.load %arg4[%swap3A_19, %swap3A_20] : memref<2528x16xf32, #tpu.memory_space<vmem>>, vector<2528x16xf32>
    tpu.vector_store %arg4[%swap3A_19, %swap3A_20], %broadcast_in_dim3A_18 {strides = array<i32>} : memref<2528x16xf32, #tpu.memory_space<vmem>>, vector<2528x16xf32>,
    return
  }
  func.func @transform_0(%arg0: i32) -> (i32, i32) {
    %c0_i32 = arith.constant 0 : i32
    %c0_i32_0 = arith.constant 0 : i32
    return %arg0, %c0_i32 : i32, i32
  }
  func.func @transform_1(%arg0: i32) -> (i32, i32, i32) {
    %c0_i32 = arith.constant 0 : i32
    %c0_i32_0 = arith.constant 0 : i32
    %c0_i32_1 = arith.constant 0 : i32
    return %c0_i32, %arg0, %c0_i32_0 : i32, i32, i32
  }
  func.func @transform_2(%arg0: i32) -> (i32, i32) {
    %c0_i32 = arith.constant 0 : i32
    %c0_i32_0 = arith.constant 0 : i32
    return %arg0, %c0_i32 : i32, i32
  }
  func.func @transform_3(%arg0: i32) -> (i32, i32) {
    %c0_i32 = arith.constant 0 : i32
    %c0_i32_0 = arith.constant 0 : i32
    return %arg0, %c0_i32 : i32, i32
  }
}

module attributes {stable_mosaic.version = 14 : i64} {
  func.func @_mid_body(%arg0: i32, %arg1: memref<2x2528x128xf32, #tpu.memory_space<vmem>>, %arg2: memref<2528x128xf32, #tpu.memory_space<vmem>>, %arg3: memref<2528x16xf32, #tpu.memory_space<vmem>>, %arg4: memref<1x128xf32, #tpu.memory_space<vmem>>, %arg5: memref<128x128xf32, #tpu.memory_space<vmem>>, %arg6: memref<2528x128xf32, #tpu.memory_space<vmem>>) attributes {dimension_semantics = [#tpu.dimension_semantics<arbitrary>], iteration_bounds = array<i64: 4>, scalar_prefetch = 0 : i64, scratch_operands = 0 : i64, tpu.core_type = #tpu.core_type<tc>, window_params = [{transform_indices = @transform_0, window_bounds = array<i64: 2, 2528, 128>}, {transform_indices = @transform_1, window_bounds = array<i64: 2528, 128>}, {transform_indices = @transform_2, window_bounds = array<i64: 2528, 16>}, {pipeline_mode = #tpu.pipeline_mode<synchronous>, transform_indices = @transform_3, window_bounds = array<i64: 1, 128>}, {pipeline_mode = #tpu.pipeline_mode<synchronous>, transform_indices = @transform_4, window_bounds = array<i64: 128, 128>}, {transform_indices = @transform_5, window_bounds = array<i64: 2528, 128>}]} {
    %get3A = arith.constant 0 : index
    %get3A_0 = arith.constant 0 : index
    %get3A_1 = arith.constant 0 : index
    %get3A_2 = vector.load %arg1[%get3A, %get3A_0, %get3A_1] : memref<2x2528x128xf32, #tpu.memory_space<vmem>>, vector<1x2528x128xf32>
    %get3A_3 = vector.shape_cast %get3A_2 : vector<1x2528x128xf32> to vector<2528x128xf32>
    %get3A_4 = arith.constant 1 : index
    %get3A_5 = arith.constant 0 : index
    %get3A_6 = arith.constant 0 : index
    %get3A_7 = vector.load %arg1[%get3A_4, %get3A_5, %get3A_6] : memref<2x2528x128xf32, #tpu.memory_space<vmem>>, vector<1x2528x128xf32>
    %get3A_8 = vector.shape_cast %get3A_7 : vector<1x2528x128xf32> to vector<2528x128xf32>
    %add3A = arith.addf %get3A_3, %get3A_8 : vector<2528x128xf32>
    %get3A_9 = arith.constant 0 : index
    %get3A_10 = arith.constant 0 : index
    %get3A_11 = vector.load %arg2[%get3A_9, %get3A_10] : memref<2528x128xf32, #tpu.memory_space<vmem>>, vector<2528x128xf32>
    %add3A_12 = arith.addf %add3A, %get3A_11 : vector<2528x128xf32>
    %get3A_13 = arith.constant 0 : index
    %get3A_14 = arith.constant 0 : index
    %get3A_15 = vector.load %arg3[%get3A_13, %get3A_14] : memref<2528x16xf32, #tpu.memory_space<vmem>>, vector<2528x1xf32>
    %mul3A = vector.broadcast %get3A_15 : vector<2528x1xf32> to vector<2528x128xf32>
    %mul3A_16 = arith.mulf %add3A_12, %mul3A : vector<2528x128xf32>
    %get3A_17 = arith.constant 0 : index
    %get3A_18 = arith.constant 0 : index
    %get3A_19 = vector.load %arg4[%get3A_17, %get3A_18] : memref<1x128xf32, #tpu.memory_space<vmem>>, vector<1x128xf32>
    %add3A_20 = vector.broadcast %get3A_19 : vector<1x128xf32> to vector<2528x128xf32>
    %add3A_21 = arith.addf %mul3A_16, %add3A_20 : vector<2528x128xf32>
    %max3A = arith.constant 0.000000e+00 : f32
    %max3A_22 = vector.broadcast %max3A : f32 to vector<2528x128xf32>
    %max3A_23 = arith.maximumf %add3A_21, %max3A_22 : vector<2528x128xf32>
    %get3A_24 = arith.constant 0 : index
    %get3A_25 = arith.constant 0 : index
    %get3A_26 = vector.load %arg5[%get3A_24, %get3A_25] : memref<128x128xf32, #tpu.memory_space<vmem>>, vector<128x128xf32>
    %dot_general3A = arith.constant dense<0.000000e+00> : vector<2528x128xf32>
    %dot_general3A_27 = tpu.matmul %max3A_23, %get3A_26, %dot_general3A {dimension_numbers = #tpu.dot_dimension_numbers<[1], [0], [0], [1], [0, 0, 1, 1], [], []>, transpose_lhs_hint = false} : vector<2528x128xf32>, vector<128x128xf32>, vector<2528x128xf32> -> vector<2528x128xf32>
    %mul3A_28 = vector.broadcast %get3A_15 : vector<2528x1xf32> to vector<2528x128xf32>
    %mul3A_29 = arith.mulf %dot_general3A_27, %mul3A_28 : vector<2528x128xf32>
    %mul3A_30 = arith.constant 2528 : i32
    %mul3A_31 = arith.muli %arg0, %mul3A_30 : i32
    %iota3A = tpu.iota {dimensions = array<i32: 0>} : vector<2528x1xi32>
    %add3A_32 = vector.broadcast %mul3A_31 : i32 to vector<2528x1xi32>
    %add3A_33 = arith.addi %add3A_32, %iota3A : vector<2528x1xi32>
    %lt3A = arith.constant 10000 : i32
    %lt3A_34 = vector.broadcast %lt3A : i32 to vector<2528x1xi32>
    %lt3A_35 = arith.cmpi slt, %add3A_33, %lt3A_34 : vector<2528x1xi32>
    %jit3A = arith.constant 0.000000e+00 : f32
    %broadcast_in_dim3A = vector.shape_cast %lt3A_35 : vector<2528x1xi1> to vector<2528x1xi1>
    %broadcast_in_dim3A_36 = vector.broadcast %broadcast_in_dim3A : vector<2528x1xi1> to vector<2528x128xi1>
    %broadcast_in_dim3A_37 = vector.broadcast %jit3A : f32 to vector<2528x128xf32>
    %select_n3A = arith.select %broadcast_in_dim3A_36, %mul3A_29, %broadcast_in_dim3A_37 : vector<2528x128xi1>, vector<2528x128xf32>
    %swap3A = arith.constant 0 : index
    %swap3A_38 = arith.constant 0 : index
    %swap3A_39 = vector.load %arg6[%swap3A, %swap3A_38] : memref<2528x128xf32, #tpu.memory_space<vmem>>, vector<2528x128xf32>
    tpu.vector_store %arg6[%swap3A, %swap3A_38], %select_n3A {strides = array<i32>} : memref<2528x128xf32, #tpu.memory_space<vmem>>, vector<2528x128xf32>,
    return
  }
  func.func @transform_0(%arg0: i32) -> (i32, i32, i32) {
    %c0_i32 = arith.constant 0 : i32
    %c0_i32_0 = arith.constant 0 : i32
    %c0_i32_1 = arith.constant 0 : i32
    return %c0_i32, %arg0, %c0_i32_0 : i32, i32, i32
  }
  func.func @transform_1(%arg0: i32) -> (i32, i32) {
    %c0_i32 = arith.constant 0 : i32
    %c0_i32_0 = arith.constant 0 : i32
    return %arg0, %c0_i32 : i32, i32
  }
  func.func @transform_2(%arg0: i32) -> (i32, i32) {
    %c0_i32 = arith.constant 0 : i32
    %c0_i32_0 = arith.constant 0 : i32
    return %arg0, %c0_i32 : i32, i32
  }
  func.func @transform_3(%arg0: i32) -> (i32, i32) {
    %c0_i32 = arith.constant 0 : i32
    %c0_i32_0 = arith.constant 0 : i32
    %c0_i32_1 = arith.constant 0 : i32
    return %c0_i32, %c0_i32_0 : i32, i32
  }
  func.func @transform_4(%arg0: i32) -> (i32, i32) {
    %c0_i32 = arith.constant 0 : i32
    %c0_i32_0 = arith.constant 0 : i32
    %c0_i32_1 = arith.constant 0 : i32
    return %c0_i32, %c0_i32_0 : i32, i32
  }
  func.func @transform_5(%arg0: i32) -> (i32, i32) {
    %c0_i32 = arith.constant 0 : i32
    %c0_i32_0 = arith.constant 0 : i32
    return %arg0, %c0_i32 : i32, i32
  }
}

module attributes {stable_mosaic.version = 14 : i64} {
  func.func @_final_body(%arg0: i32, %arg1: memref<2x2528x128xf32, #tpu.memory_space<vmem>>, %arg2: memref<2528x128xf32, #tpu.memory_space<vmem>>, %arg3: memref<2528x16xf32, #tpu.memory_space<vmem>>, %arg4: memref<1x128xf32, #tpu.memory_space<vmem>>, %arg5: memref<2528x128xf32, #tpu.memory_space<vmem>>) attributes {dimension_semantics = [#tpu.dimension_semantics<arbitrary>], iteration_bounds = array<i64: 4>, scalar_prefetch = 0 : i64, scratch_operands = 0 : i64, tpu.core_type = #tpu.core_type<tc>, window_params = [{transform_indices = @transform_0, window_bounds = array<i64: 2, 2528, 128>}, {transform_indices = @transform_1, window_bounds = array<i64: 2528, 128>}, {transform_indices = @transform_2, window_bounds = array<i64: 2528, 16>}, {pipeline_mode = #tpu.pipeline_mode<synchronous>, transform_indices = @transform_3, window_bounds = array<i64: 1, 128>}, {transform_indices = @transform_4, window_bounds = array<i64: 2528, 128>}]} {
    %get3A = arith.constant 0 : index
    %get3A_0 = arith.constant 0 : index
    %get3A_1 = arith.constant 0 : index
    %get3A_2 = vector.load %arg1[%get3A, %get3A_0, %get3A_1] : memref<2x2528x128xf32, #tpu.memory_space<vmem>>, vector<1x2528x128xf32>
    %get3A_3 = vector.shape_cast %get3A_2 : vector<1x2528x128xf32> to vector<2528x128xf32>
    %get3A_4 = arith.constant 1 : index
    %get3A_5 = arith.constant 0 : index
    %get3A_6 = arith.constant 0 : index
    %get3A_7 = vector.load %arg1[%get3A_4, %get3A_5, %get3A_6] : memref<2x2528x128xf32, #tpu.memory_space<vmem>>, vector<1x2528x128xf32>
    %get3A_8 = vector.shape_cast %get3A_7 : vector<1x2528x128xf32> to vector<2528x128xf32>
    %add3A = arith.addf %get3A_3, %get3A_8 : vector<2528x128xf32>
    %get3A_9 = arith.constant 0 : index
    %get3A_10 = arith.constant 0 : index
    %get3A_11 = vector.load %arg2[%get3A_9, %get3A_10] : memref<2528x128xf32, #tpu.memory_space<vmem>>, vector<2528x128xf32>
    %add3A_12 = arith.addf %add3A, %get3A_11 : vector<2528x128xf32>
    %get3A_13 = arith.constant 0 : index
    %get3A_14 = arith.constant 0 : index
    %get3A_15 = vector.load %arg3[%get3A_13, %get3A_14] : memref<2528x16xf32, #tpu.memory_space<vmem>>, vector<2528x1xf32>
    %mul3A = vector.broadcast %get3A_15 : vector<2528x1xf32> to vector<2528x128xf32>
    %mul3A_16 = arith.mulf %add3A_12, %mul3A : vector<2528x128xf32>
    %get3A_17 = arith.constant 0 : index
    %get3A_18 = arith.constant 0 : index
    %get3A_19 = vector.load %arg4[%get3A_17, %get3A_18] : memref<1x128xf32, #tpu.memory_space<vmem>>, vector<1x128xf32>
    %add3A_20 = vector.broadcast %get3A_19 : vector<1x128xf32> to vector<2528x128xf32>
    %add3A_21 = arith.addf %mul3A_16, %add3A_20 : vector<2528x128xf32>
    %max3A = arith.constant 0.000000e+00 : f32
    %max3A_22 = vector.broadcast %max3A : f32 to vector<2528x128xf32>
    %max3A_23 = arith.maximumf %add3A_21, %max3A_22 : vector<2528x128xf32>
    %swap3A = arith.constant 0 : index
    %swap3A_24 = arith.constant 0 : index
    %swap3A_25 = vector.load %arg5[%swap3A, %swap3A_24] : memref<2528x128xf32, #tpu.memory_space<vmem>>, vector<2528x128xf32>
    tpu.vector_store %arg5[%swap3A, %swap3A_24], %max3A_23 {strides = array<i32>} : memref<2528x128xf32, #tpu.memory_space<vmem>>, vector<2528x128xf32>,
    return
  }
  func.func @transform_0(%arg0: i32) -> (i32, i32, i32) {
    %c0_i32 = arith.constant 0 : i32
    %c0_i32_0 = arith.constant 0 : i32
    %c0_i32_1 = arith.constant 0 : i32
    return %c0_i32, %arg0, %c0_i32_0 : i32, i32, i32
  }
  func.func @transform_1(%arg0: i32) -> (i32, i32) {
    %c0_i32 = arith.constant 0 : i32
    %c0_i32_0 = arith.constant 0 : i32
    return %arg0, %c0_i32 : i32, i32
  }
  func.func @transform_2(%arg0: i32) -> (i32, i32) {
    %c0_i32 = arith.constant 0 : i32
    %c0_i32_0 = arith.constant 0 : i32
    return %arg0, %c0_i32 : i32, i32
  }
  func.func @transform_3(%arg0: i32) -> (i32, i32) {
    %c0_i32 = arith.constant 0 : i32
    %c0_i32_0 = arith.constant 0 : i32
    %c0_i32_1 = arith.constant 0 : i32
    return %c0_i32, %c0_i32_0 : i32, i32
  }
  func.func @transform_4(%arg0: i32) -> (i32, i32) {
    %c0_i32 = arith.constant 0 : i32
    %c0_i32_0 = arith.constant 0 : i32
    return %arg0, %c0_i32 : i32, i32
  }
}

</mosaic_0001>

<sc_bundles>
// kernel: kernel.12.cloned.1.call-start
scs
__scs_entry_jumppad:
0x0: {  	(pc) =	sbr.rel $0x88, $3  }
0x1: {  	(tag) =	ssettag $0x0;
	lr =	simm.s32 $0x1  }
0x2: {  	[smem:$0x3F9B] =	sst lr;
	_ =	strace $0xD0000000  }
0x3: {  	_ = 	snop  }
0x4: {  	_ = 	snop  }
0x5: {  	_ = 	snop  }
0x6: {  	_ = 	snop  }
0x7: {  	_ = 	snop  }
__scs_overlays_trampoline_lowered:
0x8: {  	[smem:$0x3FAA] =	sst s0  }
0x9: {  	[smem:$0x3FAB] =	sst s1  }
0xa: {  	[smem:$0x3FAC] =	sst s2  }
0xb: {  	[smem:$0x3FAD] =	sst s3  }
0xc: {  	[smem:$0x3FAE] =	sst s4  }
0xd: {  	[smem:$0x3FAF] =	sst s5  }
0xe: {  	[smem:$0x3FB0] =	sst s6  }
0xf: {  	[smem:$0x3FB1] =	sst s7  }
0x10: {  	[smem:$0x3FB2] =	sst s8  }
0x11: {  	[smem:$0x3FB3] =	sst s9;
	s0 =	simm.s32 @!p0 $0x0  }
0x12: {  	s1 =	sld [smem:$0x3F99];
	s0 =	simm.s32 @p0 $0x1  }
0x13: {  	[smem:$0x3FB4] =	sst s0;
	s0 =	simm.s32 @!p1 $0x0  }
0x14: {  	s2 =	sld [smem:$0x3F98];
	s0 =	simm.s32 @p1 $0x1  }
0x15: {  	[smem:$0x3FB5] =	sst s0;
	s0 =	simm.s32 @!p2 $0x0  }
0x16: {  	s3 =	sld [smem:$0x3FDB];
	s0 =	simm.s32 @p2 $0x1  }
0x17: {  	s4 =	simm.s32 $0x1BF5;
	[smem:$0x3FB7] =	sst s0  }
0x18: {  	s0 =	sld [smem:$0x3F9A];
	_ =	swait.ge [sflag:s4], $0x0  }
0x19: {  	s7 =	sld [smem:$0x3F9B]  }
0x1a: {  	s8 =	sadd.s32 $0xFFFFE003, lr  }
0x1b: {  	s9 =	sadd.s32 $0xFFFFFEF7, lr;
	s5 =	simm.s32 $0xFFFFFFFF;
	p2 =	slt.u32 s8, $0xFFFFF086  }
0x1c: {  	p1 =	slt.u32 s9, $0xF7A;
	s5 =	simm.s32 @!p2 $0x0  }
0x1d: {  	s5 =	simm.s32 @p1 $0x1;
	p0 =	seq.s32 s7, s2  }
0x1e: {  	s7 =	smul.u32 @!p0 $0xF7A, s2;
	p2 =	seq.s32 @!p0 s5, $0x0  }
0x1f: {  	s9 =	smul.u32 $0xF7A, s1;
	s8 =	simm.s32 @!p0 $0x1BF5;
	p2 =	por !p2, p0  }
0x20: {  	[sflag:s8] =	ssyncset.s32 @!p0 $0xFFFFF086;
	s6 =	sadd.s32 @!p0 s3, s7;
	s7 =	simm.s32 @!p0 $0x108  }
0x21: {  	s3 =	sadd.s32 s3, s9;
	s6 =	sadd.s32 @!p0 $0x88, s6;
	s7 =	simm.s32 @p2 $0x1082  }
0x22: {  	[simem:s7], [sflag:s8] =	dma.local @!p0 [hbm:s6], $0xF7A  }
0x23: {  	s9 =	sor.u32 $0xD0000000, s2;
	s6 =	simm.s32 $0x108;
	_ =	swait.ge @!p0 [sflag:s8], $0x0  }
0x24: {  	s3 =	sadd.s32 $0x88, s3;
	s6 =	simm.s32 @!p1 $0x1082;
	[sflag:s4] =	ssyncset.s32 $0xFFFFF086  }
0x25: {  	[simem:s6], [sflag:s4] =	dma.local [hbm:s3], $0xF7A  }
0x26: {  	[smem:$0x3F9B] =	sst s1;
	(tag) =	ssettag s2;
	_ =	strace s9  }
0x27: {  	s1 =	sld [smem:$0x3FAB]  }
0x28: {  	s2 =	sld [smem:$0x3FAC]  }
0x29: {  	s4 =	sld [smem:$0x3FAE]  }
0x2a: {  	p0 =	seq.s32 s5, $0x0;
	s5 =	sld [smem:$0x3FAF]  }
0x2b: {  	s6 =	sld [smem:$0x3FB0]  }
0x2c: {  	s7 =	sld [smem:$0x3FB1]  }
0x2d: {  	s3 =	simm.s32 $0x108;
	s8 =	sld [smem:$0x3FB2]  }
0x2e: {  	s3 =	simm.s32 @!p0 $0x1082;
	s9 =	sld [smem:$0x3FB3]  }
0x2f: {  	lr =	sadd.s32 s0, s3;
	s0 =	sld [smem:$0x3FAA]  }
0x30: {  	s3 =	sld [smem:$0x3FAD]  }
0x31: {  	[smem:$0x3FB6] =	sst s10  }
0x32: {  	s10 =	sld [smem:$0x3FB4];
	_ =	sdelay $0x3  }
0x33: {  	p0 =	seq.s32 s10, $0x1;
	s10 =	sld [smem:$0x3FB6];
	_ =	sdelay $0x3  }
0x34: {  	[smem:$0x3FB6] =	sst s10  }
0x35: {  	s10 =	sld [smem:$0x3FB5];
	_ =	sdelay $0x3  }
0x36: {  	p1 =	seq.s32 s10, $0x1;
	s10 =	sld [smem:$0x3FB6];
	_ =	sdelay $0x3  }
0x37: {  	[smem:$0x3FB6] =	sst s10  }
0x38: {  	s10 =	sld [smem:$0x3FB7]  }
0x39: {  	_ = 	snop;
	(pc) =	sbr.ind lr, $3  }
0x3a: {  	_ = 	snop  }
0x3b: {  	_ = 	snop  }
0x3c: {  	p2 =	seq.s32 s10, $0x1;
	s10 =	sld [smem:$0x3FB6]  }
0x3d: {  	_ =	shalt  }
0x3e: {  	_ =	shalt  }
0x3f: {  	_ =	shalt  }
0x40: {  	_ =	shalt  }
0x41: {  	_ =	shalt  }
0x42: {  	_ =	shalt  }
0x43: {  	_ =	shalt  }
0x44: {  	_ =	shalt  }
0x45: {  	_ =	shalt  }
0x46: {  	_ =	shalt  }
0x47: {  	_ =	shalt  }
0x48: {  	_ =	shalt  }
0x49: {  	_ =	shalt  }
0x4a: {  	_ =	shalt  }
0x4b: {  	_ =	shalt  }
0x4c: {  	_ =	shalt  }
0x4d: {  	_ =	shalt  }
0x4e: {  	_ =	shalt  }
0x4f: {  	_ =	shalt  }
0x50: {  	_ =	shalt  }
0x51: {  	_ =	shalt  }
0x52: {  	_ =	shalt  }
0x53: {  	_ =	shalt  }
0x54: {  	_ =	shalt  }
0x55: {  	_ =	shalt  }
0x56: {  	_ =	shalt  }
0x57: {  	_ =	shalt  }
0x58: {  	_ =	shalt  }
0x59: {  	_ =	shalt  }
0x5a: {  	_ =	shalt  }
0x5b: {  	_ =	shalt  }
0x5c: {  	_ =	shalt  }
0x5d: {  	_ =	shalt  }
0x5e: {  	_ =	shalt  }
0x5f: {  	_ =	shalt  }
0x60: {  	_ =	shalt  }
0x61: {  	_ =	shalt  }
0x62: {  	_ =	shalt  }
0x63: {  	_ =	shalt  }
0x64: {  	_ =	shalt  }
0x65: {  	_ =	shalt  }
0x66: {  	_ =	shalt  }
0x67: {  	_ =	shalt  }
0x68: {  	_ =	shalt  }
0x69: {  	_ =	shalt  }
0x6a: {  	_ =	shalt  }
0x6b: {  	_ =	shalt  }
0x6c: {  	_ =	shalt  }
0x6d: {  	_ =	shalt  }
0x6e: {  	_ =	shalt  }
0x6f: {  	_ =	shalt  }
0x70: {  	_ =	shalt  }
0x71: {  	_ =	shalt  }
0x72: {  	_ =	shalt  }
0x73: {  	_ =	shalt  }
0x74: {  	_ =	shalt  }
0x75: {  	_ =	shalt  }
0x76: {  	_ =	shalt  }
0x77: {  	_ =	shalt  }
0x78: {  	_ =	shalt  }
0x79: {  	_ =	shalt  }
0x7a: {  	_ =	shalt  }
0x7b: {  	_ =	shalt  }
0x7c: {  	_ =	shalt  }
0x7d: {  	_ =	shalt  }
0x7e: {  	_ =	shalt  }
0x7f: {  	_ =	shalt  }
0x80: {  	_ =	shalt  }
0x81: {  	_ =	shalt  }
0x82: {  	_ =	shalt  }
0x83: {  	_ =	shalt  }
0x84: {  	_ =	shalt  }
0x85: {  	_ =	shalt  }
0x86: {  	_ =	shalt  }
0x87: {  	_ =	shalt  }
.Lfunc_end0:
.L_simem_size_0:
called_computation.1_lowered:
.L_overlay_start_0:
0x88: {  	s2 =	sld [smem:$0x3FD9]  }
0x89: {  	s3 =	sld [smem:$0x3FFE];
	_ =	sdelay $0x1  }
0x8a: {  	s1 =	srdreg.scid  }
0x8b: {  	s0 =	sand.u32 $0x1, s1  }
0x8c: {  	s17 =	sshll.u32 s0, $0xA;
	s2 =	sadd.s32 s3, s2  }
0x8d: {  	s2 =	sadd.s32 s2, s17  }
0x8e: {  	[smem:$0x3FC2] =	sst s2  }
0x8f: {  	_ = 	snop  }
0x90: {  	s2 =	sld [smem:$0x3FD0];
	(tm) =	ssettm $0x1  }
0x91: {  	s18 =	sld [smem:$0x3FFB];
	_ =	sdelay $0x3  }
0x92: {  	_ =	strace s18  }
0x93: {  	s3 =	sld [smem:$0x3FFC];
	_ =	sdelay $0x3  }
0x94: {  	_ =	strace s3  }
0x95: {  	s3 =	sld [smem:$0x3FFD];
	_ =	sdelay $0x3  }
0x96: {  	_ =	strace s3  }
0x97: {  	_ =	strace $0x8FFFFFFF  }
0x98: {  	s19 =	sld [smem:$0x3FDB];
	_ =	sdelay $0x1  }
0x99: {  	s4 =	simm.s32 $_scs_section_size  }
0x9a: {  	s5 =	simm.s32 $_size__tile_overlayer_lowered;
	s6 =	simm.s32 $_tile_overlayer_lowered  }
0x9b: {  	s22 =	simm.s32 $0x1BFF;
	s21 =	sshll.u32 s6, $0x1;
	s3 =	sadd.s32 s4, s19  }
0x9c: {  	s7 =	simm.s32 $0x0;
	s20 =	sshll.u32 s5, $0x1;
	s5 =	sadd.s32 s21, s3  }
0x9d: {  	[timem:s7], [sflag:s22] =	dma.local [hbm:s5], s20  }
0x9e: {  	_ =	swait.ge [sflag:s22], s20  }
0x9f: {  	s4 =	ssub.s32 $0x0, s20;
	[sflag:s22] =	ssyncset.done $0x0  }
0xa0: {  	[sflag:s22] =	ssyncadd.s32 s4;
	_ =	sdelay $0x1  }
0xa1: {  	s23 =	simm.s32 $0x1B8B  }
0xa2: {  	_ =	swait.ge [sflag:s23], $0x1  }
0xa3: {  	[sflag:s23] =	ssyncset.done $0x0  }
0xa4: {  	s25 =	simm.s32 $0x1B8E;
	s24 =	sld [smem:$0x3FFE];
	[sflag:s23] =	ssyncadd.s32 $0xFFFFFFFF  }
0xa5: {  	s26 =	simm.s32 $execute0_lowered;
	[smem:$0x3FD2] =	sst s25  }
0xa6: {  	s5 =	sshll.u32 s26, $0x1;
	_ =	strace $0x80000049;
	[dreg:$0x1] =	wrdreg $0xFFFFFFFF  }
0xa7: {  	s28 =	simm.s32 $_size_execute0_lowered;
	s3 =	sadd.s32 s3, s5;
	[dreg:$0x0] =	wrdreg $0x0  }
0xa8: {  	s5 =	sshll.u32 s28, $0x1;
	[dreg:$0x2] =	wrdreg s3  }
0xa9: {  	[dreg:$0x3] =	wrdreg s5  }
0xaa: {  	[dreg:$0x4] =	wrdreg $0xC0  }
0xab: {  	_ =	task [dreg:s7], $0x5FFFF  }
0xac: {  	[dreg:$0x1] =	wrdreg $0xFFFFFFFF  }
0xad: {  	[dreg:$0x0] =	wrdreg $0x60  }
0xae: {  	[dreg:$0x2] =	wrdreg s24  }
0xaf: {  	[dreg:$0x3] =	wrdreg s2  }
0xb0: {  	[dreg:$0x4] =	wrdreg $0xA8000  }
0xb1: {  	[dreg:$0x5] =	wrdreg $0x9  }
0xb2: {  	_ =	task.clear_ibuf [dreg:s7], $0x6FFFF;
	_ =	strace $0x90000049  }
0xb3: {  	s29 =	simm.s32 $0x9;
	_ =	strace $0x8000004B  }
0xb4: {  	_ =	swait.ge [sflag:s29], $0x1  }
0xb5: {  	[sflag:s29] =	ssyncadd.s32 $0xFFFFFFFF  }
0xb6: {  	_ =	strace $0x9000004B  }
0xb7: {  	_ =	sfence  }
0xb8: {  	s30 =	sld [smem:$0x0];
	_ =	sdelay $0x2  }
0xb9: {  	s31 =	sshll.u32 s1, $0xD;
	s1 =	sshrl.u32 s1, $0x2  }
0xba: {  	s3 =	sand.u32 $0x4000, s31;
	s1 =	sadd.s32 s1, s30  }
0xbb: {  	s0 =	sor.u32 s3, s0;
	s1 =	sshll.u32 s1, $0x11  }
0xbc: {  	s0 =	sor.u32 s1, s0  }
0xbd: {  	s0 =	sadd.s32 $0x8F2B, s0  }
0xbe: {  	[sflag:s0] =	ssyncadd.remote.s32 $0x1  }
0xbf: {  	_ =	sfence.sel $0xFFFF  }
0xc0: {  	[dreg:$0x0] =	wrdreg $0xFFFFFFFF;
	(pc) =	sbr.abs _section_cstart, $3  }
0xc1: {  	[dreg:$0x1] =	wrdreg $0xFFFFFFFF  }
0xc2: {  	_ =	task.clear_ibuf [dreg:s7], $0x2FFFF;
	_ =	strace $0x9FFFFFFF  }
0xc3: {  	(tm) =	ssettm $0x7FFFFFFF  }
tec
execute0_lowered:
.L_overlay_start_1:
0x0: {  	(tag) =	ssettag $0x1  }
0x1: {  	s5 =	rddreg [dreg:$0x0]  }
0x2: {  	s10 =	rddreg [dreg:$0x1]  }
0x3: {  	s2 =	rddreg [dreg:$0x2]  }
0x4: {  	s0 =	rddreg [dreg:$0x3];
	s1 =	stileid.u32  }
0x5: {  	s4 =	srdreg.scid;
	s3 =	simm.s32 $0x0;
	s16 =	simm.s32 $0x80  }
0x6: {  	s17 =	simm.s32 $0x2800;
	s18 =	simm.s32 $0x6800;
	s19 =	simm.s32 $0x1  }
0x7: {  	s20 =	simm.s32 $0x2;
	s21 =	simm.s32 $0x2700;
	s22 =	simm.s32 $0x2780  }
0x8: {  	s23 =	simm.s32 $0x0;
	s6 =	smul.u32 $0x13C00, s1;
	s7 =	sand.u32 $0x1, s4  }
0x9: {  	[smem:$0x7FF] =	sst s3;
	s4 =	sadd.s32 $0x3DE00, s5;
	s26 =	smul.u32 $0x4F000, s1  }
0xa: {  	s11 =	sadd.s32 $0xC600, s5;
	s30 =	sshll.u32 s1, $0x6;
	s8 =	smul.u32 $0x13C000, s7  }
0xb: {  	_ =	strace $0x8000004A;
	s12 =	sshll.u32 s7, $0x4;
	s28 =	ssub.s32 $0x2, s7  }
0xc: {  	s9 =	sshrl.u32 s6, $0x3;
	s29 =	sor.u32 s1, s12;
	s7 =	sshrl.u32 s28, $0x1  }
0xd: {  	s9 =	sadd.s32 s9, s5;
	s6 =	sadd.s32 s6, s8;
	s12 =	smul.u32 $0x2800, s29  }
0xe: {  	s8 =	sshrl.u32 s26, $0x2;
	s14 =	ssub.s32 s28, s7;
	s6 =	sshrl.u32 s6, $0x3  }
0xf: {  	s15 =	sadd.s32 s8, s2;
	s13 =	sadd.s32 s6, s5;
	s31 =	sshrl.u32 s12, $0x3  }
0x10: {  	s5 =	sadd.s32 $0x16600, s9;
	s6 =	sor.u32 $0x1C03, s30;
	s12 =	sadd.s32 $0x280, s31  }
0x11: {  	s7 =	sadd.s32 s11, s31;
	s8 =	sadd.s32 s10, s31;
	s9 =	sadd.s32 s11, s12  }
0x12: {  	s10 =	sadd.s32 s10, s12;
	s11 =	sadd.s32 $0x65600, s13;
	s12 =	smax.u32 s14, $0x1  }
0x13: {  	s13 =	sshrl.u32 s15, $0x3;
	s14 =	simm.s32 $0x3;
	s15 =	simm.s32 $0x1400  }
.LBB2_1:
0x14: {  	[spmem:s13], [sflag:s6] =	dma.local [hbm:s5], $0x2780  }
0x15: {  	_ =	swait.ge [sflag:s14], $0x2780  }
0x16: {  	[sflag:s14] =	ssyncset.done $0x0  }
0x17: {  	[sflag:s14] =	ssyncadd.s32 $0xFFFFD880  }
0x18: {  	[bflag:$0x0] =	sbarrier.arrive $0xFFFF  }
0x19: {  	[tilespmem:s3], [sflag:$0x3] =	stream.linear.gather [hbm4b:s7+s3], $0x1400, $0x38;
	[tilespmem:$0x1E400] =	vst v63  }
0x1a: {  	_ =	swait.ge [sflag:s14], $0x1400  }
0x1b: {  	[sflag:s14] =	ssyncset.done $0x0  }
0x1c: {  	[sflag:s14] =	ssyncadd.s32 $0xFFFFEC00  }
0x1d: {  	[tilespmem:s15], [sflag:$0x3] =	stream.linear.gather [hbm4b:s8+s3], $0x1400, $0x38;
	[tilespmem:$0x1E400] =	vst v63  }
0x1e: {  	_ =	swait.ge [sflag:s14], $0x1400  }
0x1f: {  	[sflag:s14] =	ssyncset.done $0x0  }
0x20: {  	[sflag:s14] =	ssyncadd.s32 $0xFFFFEC00  }
0x21: {  	[tilespmem:s17], [sflag:$0x1] =	stream.indirect.gather [hbm4b:s4+s16], $0x80, s3, s16, $0xb8;
	[tilespmem:$0x1E400] =	vst v63  }
0x22: {  	_ = 	snop  }
0x23: {  	[tilespmem:s18], [sflag:$0x2] =	stream.indirect.gather [hbm4b:s4+s16], $0x80, s16, s16, $0xb8;
	[tilespmem:$0x1E400] =	vst v63  }
0x24: {  	_ =	swait.ge [sflag:s19], $0x4000  }
0x25: {  	[sflag:s19] =	ssyncset.done $0x0  }
0x26: {  	s24 =	simm.s32 $0x1400;
	[sflag:s19] =	ssyncadd.s32 $0xFFFFC000  }
0x27: {  	[spmem:s2] =	stream.indirect.scatter.add.f32 [tilespmem:s17], [sflag:$0x3], $0x80, s24, s16, $0xb8;
	[tilespmem:$0x1E400] =	vst v63  }
0x28: {  	_ =	swait.ge [sflag:s14], $0x4000  }
0x29: {  	[sflag:s14] =	ssyncset.done $0x0  }
0x2a: {  	s30 =	simm.s32 $0x100;
	[sflag:s14] =	ssyncadd.s32 $0xFFFFC000  }
0x2b: {  	[tilespmem:s17], [sflag:$0x1] =	stream.indirect.gather [hbm4b:s4+s16], $0x80, s30, s16, $0xb8;
	[tilespmem:$0x1E400] =	vst v63  }
0x2c: {  	_ =	swait.ge [sflag:s20], $0x4000  }
0x2d: {  	[sflag:s20] =	ssyncset.done $0x0  }
0x2e: {  	s31 =	simm.s32 $0x1480;
	[sflag:s20] =	ssyncadd.s32 $0xFFFFC000  }
0x2f: {  	[spmem:s2] =	stream.indirect.scatter.add.f32 [tilespmem:s18], [sflag:$0x3], $0x80, s31, s16, $0xb8;
	[tilespmem:$0x1E400] =	vst v63  }
0x30: {  	_ =	swait.ge [sflag:s14], $0x4000  }
0x31: {  	[sflag:s14] =	ssyncset.done $0x0  }
0x32: {  	s25 =	simm.s32 $0x180;
	s24 =	simm.s32 $0x400;
	[sflag:s14] =	ssyncadd.s32 $0xFFFFC000  }
.LBB2_2:
0x33: {  	[tilespmem:s18], [sflag:$0x2] =	stream.indirect.gather [hbm4b:s4+s16], $0x80, s25, s16, $0xb8;
	[tilespmem:$0x1E400] =	vst v63  }
0x34: {  	s25 =	smov.u32 s24  }
0x35: {  	p0 =	sne.s32 s24, $0x4800;
	s24 =	sadd.s32 $0x400, s24;
	_ =	swait.ge [sflag:s19], $0x4000  }
0x36: {  	s25 =	sshra.s32 s25, $0x2;
	[sflag:s19] =	ssyncset.done $0x0  }
0x37: {  	s26 =	sadd.s32 $0x1400, s25;
	[sflag:s19] =	ssyncadd.s32 $0xFFFFC000  }
0x38: {  	[spmem:s2] =	stream.indirect.scatter.add.f32 [tilespmem:s17], [sflag:$0x3], $0x80, s26, s16, $0xb8;
	[tilespmem:$0x1E400] =	vst v63  }
0x39: {  	_ =	swait.ge [sflag:s14], $0x4000  }
0x3a: {  	[sflag:s14] =	ssyncset.done $0x0  }
0x3b: {  	s26 =	sadd.s32 $0x100, s25;
	[sflag:s14] =	ssyncadd.s32 $0xFFFFC000  }
0x3c: {  	[tilespmem:s17], [sflag:$0x1] =	stream.indirect.gather [hbm4b:s4+s16], $0x80, s26, s16, $0xb8;
	[tilespmem:$0x1E400] =	vst v63  }
0x3d: {  	_ =	swait.ge [sflag:s20], $0x4000  }
0x3e: {  	[sflag:s20] =	ssyncset.done $0x0  }
.Ltmp0:
0x3f: {  	s26 =	sadd.s32 $0x1480, s25;
	[sflag:s20] =	ssyncadd.s32 $0xFFFFC000;
	(pc) =	sbr.rel @p0 .LBB2_2-.Ltmp0, $4  }
0x40: {  	[spmem:s2] =	stream.indirect.scatter.add.f32 [tilespmem:s18], [sflag:$0x3], $0x80, s26, s16, $0xb8;
	[tilespmem:$0x1E400] =	vst v63  }
0x41: {  	_ =	swait.ge [sflag:s14], $0x4000  }
0x42: {  	[sflag:s14] =	ssyncset.done $0x0  }
0x43: {  	s25 =	sadd.s32 $0x180, s25;
	[sflag:s14] =	ssyncadd.s32 $0xFFFFC000  }
0x44: {  	[tilespmem:s18], [sflag:$0x2] =	stream.indirect.gather [hbm4b:s4+s16], $0x80, s25, s16, $0xb8;
	[tilespmem:$0x1E400] =	vst v63  }
0x45: {  	_ =	swait.ge [sflag:s19], $0x4000  }
0x46: {  	[sflag:s19] =	ssyncset.done $0x0  }
0x47: {  	[sflag:s19] =	ssyncadd.s32 $0xFFFFC000  }
0x48: {  	[spmem:s2] =	stream.indirect.scatter.add.f32 [tilespmem:s17], [sflag:$0x3], $0x80, s21, s16, $0xb8;
	[tilespmem:$0x1E400] =	vst v63  }
0x49: {  	_ =	swait.ge [sflag:s14], $0x4000  }
0x4a: {  	[sflag:s14] =	ssyncset.done $0x0  }
0x4b: {  	[sflag:s14] =	ssyncadd.s32 $0xFFFFC000  }
0x4c: {  	_ =	swait.ge [sflag:s20], $0x4000  }
0x4d: {  	[sflag:s20] =	ssyncset.done $0x0  }
0x4e: {  	[sflag:s20] =	ssyncadd.s32 $0xFFFFC000  }
0x4f: {  	[spmem:s2] =	stream.indirect.scatter.add.f32 [tilespmem:s18], [sflag:$0x3], $0x80, s22, s16, $0xb8;
	[tilespmem:$0x1E400] =	vst v63  }
0x50: {  	_ =	swait.ge [sflag:s14], $0x4000  }
0x51: {  	[sflag:s14] =	ssyncset.done $0x0  }
0x52: {  	s24 =	simm.s32 $0x0;
	[sflag:s14] =	ssyncadd.s32 $0xFFFFC000  }
0x53: {  	[tilespmem:s24], [sflag:$0x3] =	stream.linear.gather [hbm4b:s9+s24], $0x1400, $0x38;
	[tilespmem:$0x1E400] =	vst v63  }
0x54: {  	_ =	swait.ge [sflag:s14], $0x1400  }
0x55: {  	[sflag:s14] =	ssyncset.done $0x0  }
0x56: {  	[sflag:s14] =	ssyncadd.s32 $0xFFFFEC00  }
0x57: {  	[tilespmem:s15], [sflag:$0x3] =	stream.linear.gather [hbm4b:s10+s24], $0x1400, $0x38;
	[tilespmem:$0x1E400] =	vst v63  }
0x58: {  	_ =	swait.ge [sflag:s14], $0x1400  }
0x59: {  	[sflag:s14] =	ssyncset.done $0x0  }
0x5a: {  	[sflag:s14] =	ssyncadd.s32 $0xFFFFEC00  }
0x5b: {  	[tilespmem:s17], [sflag:$0x1] =	stream.indirect.gather [hbm4b:s4+s16], $0x80, s24, s16, $0xb8;
	[tilespmem:$0x1E400] =	vst v63  }
0x5c: {  	_ = 	snop  }
0x5d: {  	[tilespmem:s18], [sflag:$0x2] =	stream.indirect.gather [hbm4b:s4+s16], $0x80, s16, s16, $0xb8;
	[tilespmem:$0x1E400] =	vst v63  }
0x5e: {  	_ =	swait.ge [sflag:s19], $0x4000  }
0x5f: {  	[sflag:s19] =	ssyncset.done $0x0  }
0x60: {  	s29 =	simm.s32 $0x1400;
	[sflag:s19] =	ssyncadd.s32 $0xFFFFC000  }
0x61: {  	[spmem:s2] =	stream.indirect.scatter.add.f32 [tilespmem:s17], [sflag:$0x3], $0x80, s29, s16, $0xb8;
	[tilespmem:$0x1E400] =	vst v63  }
0x62: {  	_ =	swait.ge [sflag:s14], $0x4000  }
0x63: {  	[sflag:s14] =	ssyncset.done $0x0  }
0x64: {  	s30 =	simm.s32 $0x100;
	[sflag:s14] =	ssyncadd.s32 $0xFFFFC000  }
0x65: {  	[tilespmem:s17], [sflag:$0x1] =	stream.indirect.gather [hbm4b:s4+s16], $0x80, s30, s16, $0xb8;
	[tilespmem:$0x1E400] =	vst v63  }
0x66: {  	_ =	swait.ge [sflag:s20], $0x4000  }
0x67: {  	[sflag:s20] =	ssyncset.done $0x0  }
0x68: {  	s31 =	simm.s32 $0x1480;
	[sflag:s20] =	ssyncadd.s32 $0xFFFFC000  }
0x69: {  	[spmem:s2] =	stream.indirect.scatter.add.f32 [tilespmem:s18], [sflag:$0x3], $0x80, s31, s16, $0xb8;
	[tilespmem:$0x1E400] =	vst v63  }
0x6a: {  	_ =	swait.ge [sflag:s14], $0x4000  }
0x6b: {  	[sflag:s14] =	ssyncset.done $0x0  }
0x6c: {  	s25 =	simm.s32 $0x180;
	s24 =	simm.s32 $0x400;
	[sflag:s14] =	ssyncadd.s32 $0xFFFFC000  }
.LBB2_4:
0x6d: {  	[tilespmem:s18], [sflag:$0x2] =	stream.indirect.gather [hbm4b:s4+s16], $0x80, s25, s16, $0xb8;
	[tilespmem:$0x1E400] =	vst v63  }
0x6e: {  	s25 =	smov.u32 s24  }
0x6f: {  	p0 =	sne.s32 s24, $0x4800;
	s24 =	sadd.s32 $0x400, s24;
	_ =	swait.ge [sflag:s19], $0x4000  }
0x70: {  	s25 =	sshra.s32 s25, $0x2;
	[sflag:s19] =	ssyncset.done $0x0  }
0x71: {  	s26 =	sadd.s32 $0x1400, s25;
	[sflag:s19] =	ssyncadd.s32 $0xFFFFC000  }
0x72: {  	[spmem:s2] =	stream.indirect.scatter.add.f32 [tilespmem:s17], [sflag:$0x3], $0x80, s26, s16, $0xb8;
	[tilespmem:$0x1E400] =	vst v63  }
0x73: {  	_ =	swait.ge [sflag:s14], $0x4000  }
0x74: {  	[sflag:s14] =	ssyncset.done $0x0  }
0x75: {  	s26 =	sadd.s32 $0x100, s25;
	[sflag:s14] =	ssyncadd.s32 $0xFFFFC000  }
0x76: {  	[tilespmem:s17], [sflag:$0x1] =	stream.indirect.gather [hbm4b:s4+s16], $0x80, s26, s16, $0xb8;
	[tilespmem:$0x1E400] =	vst v63  }
0x77: {  	_ =	swait.ge [sflag:s20], $0x4000  }
0x78: {  	[sflag:s20] =	ssyncset.done $0x0  }
.Ltmp1:
0x79: {  	s26 =	sadd.s32 $0x1480, s25;
	[sflag:s20] =	ssyncadd.s32 $0xFFFFC000;
	(pc) =	sbr.rel @p0 .LBB2_4-.Ltmp1, $4  }
0x7a: {  	[spmem:s2] =	stream.indirect.scatter.add.f32 [tilespmem:s18], [sflag:$0x3], $0x80, s26, s16, $0xb8;
	[tilespmem:$0x1E400] =	vst v63  }
0x7b: {  	_ =	swait.ge [sflag:s14], $0x4000  }
0x7c: {  	[sflag:s14] =	ssyncset.done $0x0  }
0x7d: {  	s25 =	sadd.s32 $0x180, s25;
	[sflag:s14] =	ssyncadd.s32 $0xFFFFC000  }
0x7e: {  	[tilespmem:s18], [sflag:$0x2] =	stream.indirect.gather [hbm4b:s4+s16], $0x80, s25, s16, $0xb8;
	[tilespmem:$0x1E400] =	vst v63  }
0x7f: {  	_ =	swait.ge [sflag:s19], $0x4000  }
0x80: {  	[sflag:s19] =	ssyncset.done $0x0  }
0x81: {  	[sflag:s19] =	ssyncadd.s32 $0xFFFFC000  }
0x82: {  	[spmem:s2] =	stream.indirect.scatter.add.f32 [tilespmem:s17], [sflag:$0x3], $0x80, s21, s16, $0xb8;
	[tilespmem:$0x1E400] =	vst v63  }
0x83: {  	_ =	swait.ge [sflag:s14], $0x4000  }
0x84: {  	[sflag:s14] =	ssyncset.done $0x0  }
0x85: {  	[sflag:s14] =	ssyncadd.s32 $0xFFFFC000  }
0x86: {  	_ =	swait.ge [sflag:s20], $0x4000  }
0x87: {  	[sflag:s20] =	ssyncset.done $0x0  }
0x88: {  	[sflag:s20] =	ssyncadd.s32 $0xFFFFC000  }
0x89: {  	[spmem:s2] =	stream.indirect.scatter.add.f32 [tilespmem:s18], [sflag:$0x3], $0x80, s22, s16, $0xb8;
	[tilespmem:$0x1E400] =	vst v63  }
0x8a: {  	_ =	swait.ge [sflag:s14], $0x4000  }
0x8b: {  	s23 =	sadd.s32 $0x1, s23;
	[sflag:s14] =	ssyncset.done $0x0  }
0x8c: {  	p0 =	sne.s32 s23, s12;
	[sflag:s14] =	ssyncadd.s32 $0xFFFFC000  }
.Ltmp2:
0x8d: {  	[bflag:$0x0] =	sbarrier.arrive $0xFFFF;
	(pc) =	sbr.rel @p0 .LBB2_1-.Ltmp2, $4  }
0x8e: {  	[hbm:s11], [sflag:s6] =	dma.local [spmem:s13], $0x2780  }
0x8f: {  	_ =	swait.ge [sflag:s14], $0x2780  }
0x90: {  	[sflag:s14] =	ssyncset.done $0x0  }
0x91: {  	[sflag:s14] =	ssyncadd.s32 $0xFFFFD880  }
0x92: {  	_ =	sfence.sel $0x180000  }
0x93: {  	[bflag:$0x0] =	sbarrier.arrive $0xFFFF  }
0x94: {  	p0 =	sne.s32 s1, $0x0;
	_ =	strace $0x9000004A  }
0x95: {  	s0 =	sadd.s32 @!p0 $0x100000, s0;
	[bflag:$0x2] =	sbarrier.arrive $0xFFFF  }
0x96: {  	[sflag:s0] =	ssyncadd.tile.s32 @!p0 $0x1;
	_ =	shalt  }
.Lfunc_end2:
_tile_overlayer_lowered:
.L_overlay_start_2:
0x97: {  	(tag) =	ssettag $0x2  }
0x98: {  	s0 =	rddreg [dreg:$0x0];
	s2 =	stileid.u32  }
0x99: {  	s1 =	rddreg [dreg:$0x1];
	p0 =	sne.s32 s2, $0x0  }
0x9a: {  	s3 =	rddreg [dreg:$0x2];
	[bflag:$0x3] =	sbarrier.arrive $0xFFFF;
	s2 =	simm.s32 @!p0 $0x1C03  }
0x9b: {  	[timem:s3], [sflag:s2] =	dma.local @!p0 [hbm:s0], s1  }
0x9c: {  	s0 =	simm.s32 @!p0 $0x3  }
0x9d: {  	_ =	swait.ge @!p0 [sflag:s0], s1  }
0x9e: {  	s1 =	ssub.s32 @!p0 $0x0, s1;
	[sflag:s0] =	ssyncset.done @!p0 $0x0  }
0x9f: {  	[sflag:s0] =	ssyncadd.s32 @!p0 s1  }
0xa0: {  	[bflag:$0x3] =	sbarrier.arrive $0xFFFF  }
0xa1: {  	_ =	shalt  }

// kernel: kernel.15.cloned.1.call-start
scs
__scs_entry_jumppad:
0x0: {  	(pc) =	sbr.rel $0x88, $3  }
0x1: {  	(tag) =	ssettag $0x0;
	lr =	simm.s32 $0x1  }
0x2: {  	[smem:$0x3F9B] =	sst lr;
	_ =	strace $0xD0000000  }
0x3: {  	_ = 	snop  }
0x4: {  	_ = 	snop  }
0x5: {  	_ = 	snop  }
0x6: {  	_ = 	snop  }
0x7: {  	_ = 	snop  }
__scs_overlays_trampoline_lowered:
0x8: {  	[smem:$0x3FAA] =	sst s0  }
0x9: {  	[smem:$0x3FAB] =	sst s1  }
0xa: {  	[smem:$0x3FAC] =	sst s2  }
0xb: {  	[smem:$0x3FAD] =	sst s3  }
0xc: {  	[smem:$0x3FAE] =	sst s4  }
0xd: {  	[smem:$0x3FAF] =	sst s5  }
0xe: {  	[smem:$0x3FB0] =	sst s6  }
0xf: {  	[smem:$0x3FB1] =	sst s7  }
0x10: {  	[smem:$0x3FB2] =	sst s8  }
0x11: {  	[smem:$0x3FB3] =	sst s9;
	s0 =	simm.s32 @!p0 $0x0  }
0x12: {  	s1 =	sld [smem:$0x3F99];
	s0 =	simm.s32 @p0 $0x1  }
0x13: {  	[smem:$0x3FB4] =	sst s0;
	s0 =	simm.s32 @!p1 $0x0  }
0x14: {  	s2 =	sld [smem:$0x3F98];
	s0 =	simm.s32 @p1 $0x1  }
0x15: {  	[smem:$0x3FB5] =	sst s0;
	s0 =	simm.s32 @!p2 $0x0  }
0x16: {  	s3 =	sld [smem:$0x3FDB];
	s0 =	simm.s32 @p2 $0x1  }
0x17: {  	s4 =	simm.s32 $0x1BF5;
	[smem:$0x3FB7] =	sst s0  }
0x18: {  	s0 =	sld [smem:$0x3F9A];
	_ =	swait.ge [sflag:s4], $0x0  }
0x19: {  	s7 =	sld [smem:$0x3F9B]  }
0x1a: {  	s8 =	sadd.s32 $0xFFFFE003, lr  }
0x1b: {  	s9 =	sadd.s32 $0xFFFFFEF7, lr;
	s5 =	simm.s32 $0xFFFFFFFF;
	p2 =	slt.u32 s8, $0xFFFFF086  }
0x1c: {  	p1 =	slt.u32 s9, $0xF7A;
	s5 =	simm.s32 @!p2 $0x0  }
0x1d: {  	s5 =	simm.s32 @p1 $0x1;
	p0 =	seq.s32 s7, s2  }
0x1e: {  	s7 =	smul.u32 @!p0 $0xF7A, s2;
	p2 =	seq.s32 @!p0 s5, $0x0  }
0x1f: {  	s9 =	smul.u32 $0xF7A, s1;
	s8 =	simm.s32 @!p0 $0x1BF5;
	p2 =	por !p2, p0  }
0x20: {  	[sflag:s8] =	ssyncset.s32 @!p0 $0xFFFFF086;
	s6 =	sadd.s32 @!p0 s3, s7;
	s7 =	simm.s32 @!p0 $0x108  }
0x21: {  	s3 =	sadd.s32 s3, s9;
	s6 =	sadd.s32 @!p0 $0x88, s6;
	s7 =	simm.s32 @p2 $0x1082  }
0x22: {  	[simem:s7], [sflag:s8] =	dma.local @!p0 [hbm:s6], $0xF7A  }
0x23: {  	s9 =	sor.u32 $0xD0000000, s2;
	s6 =	simm.s32 $0x108;
	_ =	swait.ge @!p0 [sflag:s8], $0x0  }
0x24: {  	s3 =	sadd.s32 $0x88, s3;
	s6 =	simm.s32 @!p1 $0x1082;
	[sflag:s4] =	ssyncset.s32 $0xFFFFF086  }
0x25: {  	[simem:s6], [sflag:s4] =	dma.local [hbm:s3], $0xF7A  }
0x26: {  	[smem:$0x3F9B] =	sst s1;
	(tag) =	ssettag s2;
	_ =	strace s9  }
0x27: {  	s1 =	sld [smem:$0x3FAB]  }
0x28: {  	s2 =	sld [smem:$0x3FAC]  }
0x29: {  	s4 =	sld [smem:$0x3FAE]  }
0x2a: {  	p0 =	seq.s32 s5, $0x0;
	s5 =	sld [smem:$0x3FAF]  }
0x2b: {  	s6 =	sld [smem:$0x3FB0]  }
0x2c: {  	s7 =	sld [smem:$0x3FB1]  }
0x2d: {  	s3 =	simm.s32 $0x108;
	s8 =	sld [smem:$0x3FB2]  }
0x2e: {  	s3 =	simm.s32 @!p0 $0x1082;
	s9 =	sld [smem:$0x3FB3]  }
0x2f: {  	lr =	sadd.s32 s0, s3;
	s0 =	sld [smem:$0x3FAA]  }
0x30: {  	s3 =	sld [smem:$0x3FAD]  }
0x31: {  	[smem:$0x3FB6] =	sst s10  }
0x32: {  	s10 =	sld [smem:$0x3FB4];
	_ =	sdelay $0x3  }
0x33: {  	p0 =	seq.s32 s10, $0x1;
	s10 =	sld [smem:$0x3FB6];
	_ =	sdelay $0x3  }
0x34: {  	[smem:$0x3FB6] =	sst s10  }
0x35: {  	s10 =	sld [smem:$0x3FB5];
	_ =	sdelay $0x3  }
0x36: {  	p1 =	seq.s32 s10, $0x1;
	s10 =	sld [smem:$0x3FB6];
	_ =	sdelay $0x3  }
0x37: {  	[smem:$0x3FB6] =	sst s10  }
0x38: {  	s10 =	sld [smem:$0x3FB7]  }
0x39: {  	_ = 	snop;
	(pc) =	sbr.ind lr, $3  }
0x3a: {  	_ = 	snop  }
0x3b: {  	_ = 	snop  }
0x3c: {  	p2 =	seq.s32 s10, $0x1;
	s10 =	sld [smem:$0x3FB6]  }
0x3d: {  	_ =	shalt  }
0x3e: {  	_ =	shalt  }
0x3f: {  	_ =	shalt  }
0x40: {  	_ =	shalt  }
0x41: {  	_ =	shalt  }
0x42: {  	_ =	shalt  }
0x43: {  	_ =	shalt  }
0x44: {  	_ =	shalt  }
0x45: {  	_ =	shalt  }
0x46: {  	_ =	shalt  }
0x47: {  	_ =	shalt  }
0x48: {  	_ =	shalt  }
0x49: {  	_ =	shalt  }
0x4a: {  	_ =	shalt  }
0x4b: {  	_ =	shalt  }
0x4c: {  	_ =	shalt  }
0x4d: {  	_ =	shalt  }
0x4e: {  	_ =	shalt  }
0x4f: {  	_ =	shalt  }
0x50: {  	_ =	shalt  }
0x51: {  	_ =	shalt  }
0x52: {  	_ =	shalt  }
0x53: {  	_ =	shalt  }
0x54: {  	_ =	shalt  }
0x55: {  	_ =	shalt  }
0x56: {  	_ =	shalt  }
0x57: {  	_ =	shalt  }
0x58: {  	_ =	shalt  }
0x59: {  	_ =	shalt  }
0x5a: {  	_ =	shalt  }
0x5b: {  	_ =	shalt  }
0x5c: {  	_ =	shalt  }
0x5d: {  	_ =	shalt  }
0x5e: {  	_ =	shalt  }
0x5f: {  	_ =	shalt  }
0x60: {  	_ =	shalt  }
0x61: {  	_ =	shalt  }
0x62: {  	_ =	shalt  }
0x63: {  	_ =	shalt  }
0x64: {  	_ =	shalt  }
0x65: {  	_ =	shalt  }
0x66: {  	_ =	shalt  }
0x67: {  	_ =	shalt  }
0x68: {  	_ =	shalt  }
0x69: {  	_ =	shalt  }
0x6a: {  	_ =	shalt  }
0x6b: {  	_ =	shalt  }
0x6c: {  	_ =	shalt  }
0x6d: {  	_ =	shalt  }
0x6e: {  	_ =	shalt  }
0x6f: {  	_ =	shalt  }
0x70: {  	_ =	shalt  }
0x71: {  	_ =	shalt  }
0x72: {  	_ =	shalt  }
0x73: {  	_ =	shalt  }
0x74: {  	_ =	shalt  }
0x75: {  	_ =	shalt  }
0x76: {  	_ =	shalt  }
0x77: {  	_ =	shalt  }
0x78: {  	_ =	shalt  }
0x79: {  	_ =	shalt  }
0x7a: {  	_ =	shalt  }
0x7b: {  	_ =	shalt  }
0x7c: {  	_ =	shalt  }
0x7d: {  	_ =	shalt  }
0x7e: {  	_ =	shalt  }
0x7f: {  	_ =	shalt  }
0x80: {  	_ =	shalt  }
0x81: {  	_ =	shalt  }
0x82: {  	_ =	shalt  }
0x83: {  	_ =	shalt  }
0x84: {  	_ =	shalt  }
0x85: {  	_ =	shalt  }
0x86: {  	_ =	shalt  }
0x87: {  	_ =	shalt  }
.Lfunc_end0:
.L_simem_size_0:
called_computation.2_lowered:
.L_overlay_start_0:
0x88: {  	s2 =	sld [smem:$0x3FD9]  }
0x89: {  	s3 =	sld [smem:$0x3FFE];
	_ =	sdelay $0x1  }
0x8a: {  	s1 =	srdreg.scid  }
0x8b: {  	s0 =	sand.u32 $0x1, s1  }
0x8c: {  	s17 =	sshll.u32 s0, $0xA;
	s2 =	sadd.s32 s3, s2  }
0x8d: {  	s2 =	sadd.s32 s2, s17  }
0x8e: {  	[smem:$0x3FC2] =	sst s2  }
0x8f: {  	_ = 	snop  }
0x90: {  	s2 =	sld [smem:$0x3FD0];
	(tm) =	ssettm $0x1  }
0x91: {  	s18 =	sld [smem:$0x3FFB];
	_ =	sdelay $0x3  }
0x92: {  	_ =	strace s18  }
0x93: {  	s3 =	sld [smem:$0x3FFC];
	_ =	sdelay $0x3  }
0x94: {  	_ =	strace s3  }
0x95: {  	s3 =	sld [smem:$0x3FFD];
	_ =	sdelay $0x3  }
0x96: {  	_ =	strace s3  }
0x97: {  	_ =	strace $0x8FFFFFFF  }
0x98: {  	s19 =	sld [smem:$0x3FDB];
	_ =	sdelay $0x1  }
0x99: {  	s4 =	simm.s32 $_scs_section_size  }
0x9a: {  	s5 =	simm.s32 $_size__tile_overlayer_lowered;
	s6 =	simm.s32 $_tile_overlayer_lowered  }
0x9b: {  	s22 =	simm.s32 $0x1BFF;
	s21 =	sshll.u32 s6, $0x1;
	s3 =	sadd.s32 s4, s19  }
0x9c: {  	s7 =	simm.s32 $0x0;
	s20 =	sshll.u32 s5, $0x1;
	s5 =	sadd.s32 s21, s3  }
0x9d: {  	[timem:s7], [sflag:s22] =	dma.local [hbm:s5], s20  }
0x9e: {  	_ =	swait.ge [sflag:s22], s20  }
0x9f: {  	s4 =	ssub.s32 $0x0, s20;
	[sflag:s22] =	ssyncset.done $0x0  }
0xa0: {  	[sflag:s22] =	ssyncadd.s32 s4;
	_ =	sdelay $0x1  }
0xa1: {  	s23 =	simm.s32 $0x1B8B  }
0xa2: {  	_ =	swait.ge [sflag:s23], $0x1  }
0xa3: {  	[sflag:s23] =	ssyncset.done $0x0  }
0xa4: {  	s25 =	simm.s32 $0x1B8E;
	s24 =	sld [smem:$0x3FFE];
	[sflag:s23] =	ssyncadd.s32 $0xFFFFFFFF  }
0xa5: {  	s26 =	simm.s32 $execute0_lowered;
	[smem:$0x3FD2] =	sst s25  }
0xa6: {  	s5 =	sshll.u32 s26, $0x1;
	_ =	strace $0x8000004C;
	[dreg:$0x1] =	wrdreg $0xFFFFFFFF  }
0xa7: {  	s28 =	simm.s32 $_size_execute0_lowered;
	s3 =	sadd.s32 s3, s5;
	[dreg:$0x0] =	wrdreg $0x0  }
0xa8: {  	s5 =	sshll.u32 s28, $0x1;
	[dreg:$0x2] =	wrdreg s3  }
0xa9: {  	[dreg:$0x3] =	wrdreg s5  }
0xaa: {  	[dreg:$0x4] =	wrdreg $0xC0  }
0xab: {  	_ =	task [dreg:s7], $0x5FFFF  }
0xac: {  	[dreg:$0x1] =	wrdreg $0xFFFFFFFF  }
0xad: {  	[dreg:$0x0] =	wrdreg $0x60  }
0xae: {  	[dreg:$0x2] =	wrdreg s24  }
0xaf: {  	[dreg:$0x3] =	wrdreg s2  }
0xb0: {  	[dreg:$0x4] =	wrdreg $0xA8000  }
0xb1: {  	[dreg:$0x5] =	wrdreg $0x9  }
0xb2: {  	_ =	task.clear_ibuf [dreg:s7], $0x6FFFF;
	_ =	strace $0x9000004C  }
0xb3: {  	s29 =	simm.s32 $0x9;
	_ =	strace $0x8000004E  }
0xb4: {  	_ =	swait.ge [sflag:s29], $0x1  }
0xb5: {  	[sflag:s29] =	ssyncadd.s32 $0xFFFFFFFF  }
0xb6: {  	_ =	strace $0x9000004E  }
0xb7: {  	_ =	sfence  }
0xb8: {  	s30 =	sld [smem:$0x0];
	_ =	sdelay $0x2  }
0xb9: {  	s31 =	sshll.u32 s1, $0xD;
	s1 =	sshrl.u32 s1, $0x2  }
0xba: {  	s3 =	sand.u32 $0x4000, s31;
	s1 =	sadd.s32 s1, s30  }
0xbb: {  	s0 =	sor.u32 s3, s0;
	s1 =	sshll.u32 s1, $0x11  }
0xbc: {  	s0 =	sor.u32 s1, s0  }
0xbd: {  	s0 =	sadd.s32 $0x8F2B, s0  }
0xbe: {  	[sflag:s0] =	ssyncadd.remote.s32 $0x1  }
0xbf: {  	_ =	sfence.sel $0xFFFF  }
0xc0: {  	[dreg:$0x0] =	wrdreg $0xFFFFFFFF;
	(pc) =	sbr.abs _section_cstart, $3  }
0xc1: {  	[dreg:$0x1] =	wrdreg $0xFFFFFFFF  }
0xc2: {  	_ =	task.clear_ibuf [dreg:s7], $0x2FFFF;
	_ =	strace $0x9FFFFFFF  }
0xc3: {  	(tm) =	ssettm $0x7FFFFFFF  }
tec
execute0_lowered:
.L_overlay_start_1:
0x0: {  	(tag) =	ssettag $0x1  }
0x1: {  	s5 =	rddreg [dreg:$0x0]  }
0x2: {  	s10 =	rddreg [dreg:$0x1]  }
0x3: {  	s2 =	rddreg [dreg:$0x2]  }
0x4: {  	s0 =	rddreg [dreg:$0x3];
	s1 =	stileid.u32  }
0x5: {  	s4 =	srdreg.scid;
	s3 =	simm.s32 $0x0;
	s16 =	simm.s32 $0x80  }
0x6: {  	s17 =	simm.s32 $0x2800;
	s18 =	simm.s32 $0x6800;
	s19 =	simm.s32 $0x1  }
0x7: {  	s20 =	simm.s32 $0x2;
	s21 =	simm.s32 $0x2700;
	s22 =	simm.s32 $0x2780  }
0x8: {  	s23 =	simm.s32 $0x0;
	s6 =	smul.u32 $0x13C00, s1;
	s7 =	sand.u32 $0x1, s4  }
0x9: {  	[smem:$0x7FF] =	sst s3;
	s4 =	sadd.s32 $0x3DE00, s5;
	s26 =	smul.u32 $0x4F000, s1  }
0xa: {  	s11 =	sadd.s32 $0xC600, s5;
	s30 =	sshll.u32 s1, $0x6;
	s8 =	smul.u32 $0x13C000, s7  }
0xb: {  	_ =	strace $0x8000004D;
	s12 =	sshll.u32 s7, $0x4;
	s28 =	ssub.s32 $0x2, s7  }
0xc: {  	s9 =	sshrl.u32 s6, $0x3;
	s29 =	sor.u32 s1, s12;
	s7 =	sshrl.u32 s28, $0x1  }
0xd: {  	s9 =	sadd.s32 s9, s5;
	s6 =	sadd.s32 s6, s8;
	s12 =	smul.u32 $0x2800, s29  }
0xe: {  	s8 =	sshrl.u32 s26, $0x2;
	s14 =	ssub.s32 s28, s7;
	s6 =	sshrl.u32 s6, $0x3  }
0xf: {  	s15 =	sadd.s32 s8, s2;
	s13 =	sadd.s32 s6, s5;
	s31 =	sshrl.u32 s12, $0x3  }
0x10: {  	s5 =	sadd.s32 $0x16600, s9;
	s6 =	sor.u32 $0x1C03, s30;
	s12 =	sadd.s32 $0x280, s31  }
0x11: {  	s7 =	sadd.s32 s11, s31;
	s8 =	sadd.s32 s10, s31;
	s9 =	sadd.s32 s11, s12  }
0x12: {  	s10 =	sadd.s32 s10, s12;
	s11 =	sadd.s32 $0x65600, s13;
	s12 =	smax.u32 s14, $0x1  }
0x13: {  	s13 =	sshrl.u32 s15, $0x3;
	s14 =	simm.s32 $0x3;
	s15 =	simm.s32 $0x1400  }
.LBB2_1:
0x14: {  	[spmem:s13], [sflag:s6] =	dma.local [hbm:s5], $0x2780  }
0x15: {  	_ =	swait.ge [sflag:s14], $0x2780  }
0x16: {  	[sflag:s14] =	ssyncset.done $0x0  }
0x17: {  	[sflag:s14] =	ssyncadd.s32 $0xFFFFD880  }
0x18: {  	[bflag:$0x0] =	sbarrier.arrive $0xFFFF  }
0x19: {  	[tilespmem:s3], [sflag:$0x3] =	stream.linear.gather [hbm4b:s7+s3], $0x1400, $0x38;
	[tilespmem:$0x1E400] =	vst v63  }
0x1a: {  	_ =	swait.ge [sflag:s14], $0x1400  }
0x1b: {  	[sflag:s14] =	ssyncset.done $0x0  }
0x1c: {  	[sflag:s14] =	ssyncadd.s32 $0xFFFFEC00  }
0x1d: {  	[tilespmem:s15], [sflag:$0x3] =	stream.linear.gather [hbm4b:s8+s3], $0x1400, $0x38;
	[tilespmem:$0x1E400] =	vst v63  }
0x1e: {  	_ =	swait.ge [sflag:s14], $0x1400  }
0x1f: {  	[sflag:s14] =	ssyncset.done $0x0  }
0x20: {  	[sflag:s14] =	ssyncadd.s32 $0xFFFFEC00  }
0x21: {  	[tilespmem:s17], [sflag:$0x1] =	stream.indirect.gather [hbm4b:s4+s16], $0x80, s3, s16, $0xb8;
	[tilespmem:$0x1E400] =	vst v63  }
0x22: {  	_ = 	snop  }
0x23: {  	[tilespmem:s18], [sflag:$0x2] =	stream.indirect.gather [hbm4b:s4+s16], $0x80, s16, s16, $0xb8;
	[tilespmem:$0x1E400] =	vst v63  }
0x24: {  	_ =	swait.ge [sflag:s19], $0x4000  }
0x25: {  	[sflag:s19] =	ssyncset.done $0x0  }
0x26: {  	s24 =	simm.s32 $0x1400;
	[sflag:s19] =	ssyncadd.s32 $0xFFFFC000  }
0x27: {  	[spmem:s2] =	stream.indirect.scatter.add.f32 [tilespmem:s17], [sflag:$0x3], $0x80, s24, s16, $0xb8;
	[tilespmem:$0x1E400] =	vst v63  }
0x28: {  	_ =	swait.ge [sflag:s14], $0x4000  }
0x29: {  	[sflag:s14] =	ssyncset.done $0x0  }
0x2a: {  	s30 =	simm.s32 $0x100;
	[sflag:s14] =	ssyncadd.s32 $0xFFFFC000  }
0x2b: {  	[tilespmem:s17], [sflag:$0x1] =	stream.indirect.gather [hbm4b:s4+s16], $0x80, s30, s16, $0xb8;
	[tilespmem:$0x1E400] =	vst v63  }
0x2c: {  	_ =	swait.ge [sflag:s20], $0x4000  }
0x2d: {  	[sflag:s20] =	ssyncset.done $0x0  }
0x2e: {  	s31 =	simm.s32 $0x1480;
	[sflag:s20] =	ssyncadd.s32 $0xFFFFC000  }
0x2f: {  	[spmem:s2] =	stream.indirect.scatter.add.f32 [tilespmem:s18], [sflag:$0x3], $0x80, s31, s16, $0xb8;
	[tilespmem:$0x1E400] =	vst v63  }
0x30: {  	_ =	swait.ge [sflag:s14], $0x4000  }
0x31: {  	[sflag:s14] =	ssyncset.done $0x0  }
0x32: {  	s25 =	simm.s32 $0x180;
	s24 =	simm.s32 $0x400;
	[sflag:s14] =	ssyncadd.s32 $0xFFFFC000  }
.LBB2_2:
0x33: {  	[tilespmem:s18], [sflag:$0x2] =	stream.indirect.gather [hbm4b:s4+s16], $0x80, s25, s16, $0xb8;
	[tilespmem:$0x1E400] =	vst v63  }
0x34: {  	s25 =	smov.u32 s24  }
0x35: {  	p0 =	sne.s32 s24, $0x4800;
	s24 =	sadd.s32 $0x400, s24;
	_ =	swait.ge [sflag:s19], $0x4000  }
0x36: {  	s25 =	sshra.s32 s25, $0x2;
	[sflag:s19] =	ssyncset.done $0x0  }
0x37: {  	s26 =	sadd.s32 $0x1400, s25;
	[sflag:s19] =	ssyncadd.s32 $0xFFFFC000  }
0x38: {  	[spmem:s2] =	stream.indirect.scatter.add.f32 [tilespmem:s17], [sflag:$0x3], $0x80, s26, s16, $0xb8;
	[tilespmem:$0x1E400] =	vst v63  }
0x39: {  	_ =	swait.ge [sflag:s14], $0x4000  }
0x3a: {  	[sflag:s14] =	ssyncset.done $0x0  }
0x3b: {  	s26 =	sadd.s32 $0x100, s25;
	[sflag:s14] =	ssyncadd.s32 $0xFFFFC000  }
0x3c: {  	[tilespmem:s17], [sflag:$0x1] =	stream.indirect.gather [hbm4b:s4+s16], $0x80, s26, s16, $0xb8;
	[tilespmem:$0x1E400] =	vst v63  }
0x3d: {  	_ =	swait.ge [sflag:s20], $0x4000  }
0x3e: {  	[sflag:s20] =	ssyncset.done $0x0  }
.Ltmp0:
0x3f: {  	s26 =	sadd.s32 $0x1480, s25;
	[sflag:s20] =	ssyncadd.s32 $0xFFFFC000;
	(pc) =	sbr.rel @p0 .LBB2_2-.Ltmp0, $4  }
0x40: {  	[spmem:s2] =	stream.indirect.scatter.add.f32 [tilespmem:s18], [sflag:$0x3], $0x80, s26, s16, $0xb8;
	[tilespmem:$0x1E400] =	vst v63  }
0x41: {  	_ =	swait.ge [sflag:s14], $0x4000  }
0x42: {  	[sflag:s14] =	ssyncset.done $0x0  }
0x43: {  	s25 =	sadd.s32 $0x180, s25;
	[sflag:s14] =	ssyncadd.s32 $0xFFFFC000  }
0x44: {  	[tilespmem:s18], [sflag:$0x2] =	stream.indirect.gather [hbm4b:s4+s16], $0x80, s25, s16, $0xb8;
	[tilespmem:$0x1E400] =	vst v63  }
0x45: {  	_ =	swait.ge [sflag:s19], $0x4000  }
0x46: {  	[sflag:s19] =	ssyncset.done $0x0  }
0x47: {  	[sflag:s19] =	ssyncadd.s32 $0xFFFFC000  }
0x48: {  	[spmem:s2] =	stream.indirect.scatter.add.f32 [tilespmem:s17], [sflag:$0x3], $0x80, s21, s16, $0xb8;
	[tilespmem:$0x1E400] =	vst v63  }
0x49: {  	_ =	swait.ge [sflag:s14], $0x4000  }
0x4a: {  	[sflag:s14] =	ssyncset.done $0x0  }
0x4b: {  	[sflag:s14] =	ssyncadd.s32 $0xFFFFC000  }
0x4c: {  	_ =	swait.ge [sflag:s20], $0x4000  }
0x4d: {  	[sflag:s20] =	ssyncset.done $0x0  }
0x4e: {  	[sflag:s20] =	ssyncadd.s32 $0xFFFFC000  }
0x4f: {  	[spmem:s2] =	stream.indirect.scatter.add.f32 [tilespmem:s18], [sflag:$0x3], $0x80, s22, s16, $0xb8;
	[tilespmem:$0x1E400] =	vst v63  }
0x50: {  	_ =	swait.ge [sflag:s14], $0x4000  }
0x51: {  	[sflag:s14] =	ssyncset.done $0x0  }
0x52: {  	s24 =	simm.s32 $0x0;
	[sflag:s14] =	ssyncadd.s32 $0xFFFFC000  }
0x53: {  	[tilespmem:s24], [sflag:$0x3] =	stream.linear.gather [hbm4b:s9+s24], $0x1400, $0x38;
	[tilespmem:$0x1E400] =	vst v63  }
0x54: {  	_ =	swait.ge [sflag:s14], $0x1400  }
0x55: {  	[sflag:s14] =	ssyncset.done $0x0  }
0x56: {  	[sflag:s14] =	ssyncadd.s32 $0xFFFFEC00  }
0x57: {  	[tilespmem:s15], [sflag:$0x3] =	stream.linear.gather [hbm4b:s10+s24], $0x1400, $0x38;
	[tilespmem:$0x1E400] =	vst v63  }
0x58: {  	_ =	swait.ge [sflag:s14], $0x1400  }
0x59: {  	[sflag:s14] =	ssyncset.done $0x0  }
0x5a: {  	[sflag:s14] =	ssyncadd.s32 $0xFFFFEC00  }
0x5b: {  	[tilespmem:s17], [sflag:$0x1] =	stream.indirect.gather [hbm4b:s4+s16], $0x80, s24, s16, $0xb8;
	[tilespmem:$0x1E400] =	vst v63  }
0x5c: {  	_ = 	snop  }
0x5d: {  	[tilespmem:s18], [sflag:$0x2] =	stream.indirect.gather [hbm4b:s4+s16], $0x80, s16, s16, $0xb8;
	[tilespmem:$0x1E400] =	vst v63  }
0x5e: {  	_ =	swait.ge [sflag:s19], $0x4000  }
0x5f: {  	[sflag:s19] =	ssyncset.done $0x0  }
0x60: {  	s29 =	simm.s32 $0x1400;
	[sflag:s19] =	ssyncadd.s32 $0xFFFFC000  }
0x61: {  	[spmem:s2] =	stream.indirect.scatter.add.f32 [tilespmem:s17], [sflag:$0x3], $0x80, s29, s16, $0xb8;
	[tilespmem:$0x1E400] =	vst v63  }
0x62: {  	_ =	swait.ge [sflag:s14], $0x4000  }
0x63: {  	[sflag:s14] =	ssyncset.done $0x0  }
0x64: {  	s30 =	simm.s32 $0x100;
	[sflag:s14] =	ssyncadd.s32 $0xFFFFC000  }
0x65: {  	[tilespmem:s17], [sflag:$0x1] =	stream.indirect.gather [hbm4b:s4+s16], $0x80, s30, s16, $0xb8;
	[tilespmem:$0x1E400] =	vst v63  }
0x66: {  	_ =	swait.ge [sflag:s20], $0x4000  }
0x67: {  	[sflag:s20] =	ssyncset.done $0x0  }
0x68: {  	s31 =	simm.s32 $0x1480;
	[sflag:s20] =	ssyncadd.s32 $0xFFFFC000  }
0x69: {  	[spmem:s2] =	stream.indirect.scatter.add.f32 [tilespmem:s18], [sflag:$0x3], $0x80, s31, s16, $0xb8;
	[tilespmem:$0x1E400] =	vst v63  }
0x6a: {  	_ =	swait.ge [sflag:s14], $0x4000  }
0x6b: {  	[sflag:s14] =	ssyncset.done $0x0  }
0x6c: {  	s25 =	simm.s32 $0x180;
	s24 =	simm.s32 $0x400;
	[sflag:s14] =	ssyncadd.s32 $0xFFFFC000  }
.LBB2_4:
0x6d: {  	[tilespmem:s18], [sflag:$0x2] =	stream.indirect.gather [hbm4b:s4+s16], $0x80, s25, s16, $0xb8;
	[tilespmem:$0x1E400] =	vst v63  }
0x6e: {  	s25 =	smov.u32 s24  }
0x6f: {  	p0 =	sne.s32 s24, $0x4800;
	s24 =	sadd.s32 $0x400, s24;
	_ =	swait.ge [sflag:s19], $0x4000  }
0x70: {  	s25 =	sshra.s32 s25, $0x2;
	[sflag:s19] =	ssyncset.done $0x0  }
0x71: {  	s26 =	sadd.s32 $0x1400, s25;
	[sflag:s19] =	ssyncadd.s32 $0xFFFFC000  }
0x72: {  	[spmem:s2] =	stream.indirect.scatter.add.f32 [tilespmem:s17], [sflag:$0x3], $0x80, s26, s16, $0xb8;
	[tilespmem:$0x1E400] =	vst v63  }
0x73: {  	_ =	swait.ge [sflag:s14], $0x4000  }
0x74: {  	[sflag:s14] =	ssyncset.done $0x0  }
0x75: {  	s26 =	sadd.s32 $0x100, s25;
	[sflag:s14] =	ssyncadd.s32 $0xFFFFC000  }
0x76: {  	[tilespmem:s17], [sflag:$0x1] =	stream.indirect.gather [hbm4b:s4+s16], $0x80, s26, s16, $0xb8;
	[tilespmem:$0x1E400] =	vst v63  }
0x77: {  	_ =	swait.ge [sflag:s20], $0x4000  }
0x78: {  	[sflag:s20] =	ssyncset.done $0x0  }
.Ltmp1:
0x79: {  	s26 =	sadd.s32 $0x1480, s25;
	[sflag:s20] =	ssyncadd.s32 $0xFFFFC000;
	(pc) =	sbr.rel @p0 .LBB2_4-.Ltmp1, $4  }
0x7a: {  	[spmem:s2] =	stream.indirect.scatter.add.f32 [tilespmem:s18], [sflag:$0x3], $0x80, s26, s16, $0xb8;
	[tilespmem:$0x1E400] =	vst v63  }
0x7b: {  	_ =	swait.ge [sflag:s14], $0x4000  }
0x7c: {  	[sflag:s14] =	ssyncset.done $0x0  }
0x7d: {  	s25 =	sadd.s32 $0x180, s25;
	[sflag:s14] =	ssyncadd.s32 $0xFFFFC000  }
0x7e: {  	[tilespmem:s18], [sflag:$0x2] =	stream.indirect.gather [hbm4b:s4+s16], $0x80, s25, s16, $0xb8;
	[tilespmem:$0x1E400] =	vst v63  }
0x7f: {  	_ =	swait.ge [sflag:s19], $0x4000  }
0x80: {  	[sflag:s19] =	ssyncset.done $0x0  }
0x81: {  	[sflag:s19] =	ssyncadd.s32 $0xFFFFC000  }
0x82: {  	[spmem:s2] =	stream.indirect.scatter.add.f32 [tilespmem:s17], [sflag:$0x3], $0x80, s21, s16, $0xb8;
	[tilespmem:$0x1E400] =	vst v63  }
0x83: {  	_ =	swait.ge [sflag:s14], $0x4000  }
0x84: {  	[sflag:s14] =	ssyncset.done $0x0  }
0x85: {  	[sflag:s14] =	ssyncadd.s32 $0xFFFFC000  }
0x86: {  	_ =	swait.ge [sflag:s20], $0x4000  }
0x87: {  	[sflag:s20] =	ssyncset.done $0x0  }
0x88: {  	[sflag:s20] =	ssyncadd.s32 $0xFFFFC000  }
0x89: {  	[spmem:s2] =	stream.indirect.scatter.add.f32 [tilespmem:s18], [sflag:$0x3], $0x80, s22, s16, $0xb8;
	[tilespmem:$0x1E400] =	vst v63  }
0x8a: {  	_ =	swait.ge [sflag:s14], $0x4000  }
0x8b: {  	s23 =	sadd.s32 $0x1, s23;
	[sflag:s14] =	ssyncset.done $0x0  }
0x8c: {  	p0 =	sne.s32 s23, s12;
	[sflag:s14] =	ssyncadd.s32 $0xFFFFC000  }
.Ltmp2:
0x8d: {  	[bflag:$0x0] =	sbarrier.arrive $0xFFFF;
	(pc) =	sbr.rel @p0 .LBB2_1-.Ltmp2, $4  }
0x8e: {  	[hbm:s11], [sflag:s6] =	dma.local [spmem:s13], $0x2780  }
0x8f: {  	_ =	swait.ge [sflag:s14], $0x2780  }
0x90: {  	[sflag:s14] =	ssyncset.done $0x0  }
0x91: {  	[sflag:s14] =	ssyncadd.s32 $0xFFFFD880  }
0x92: {  	_ =	sfence.sel $0x180000  }
0x93: {  	[bflag:$0x0] =	sbarrier.arrive $0xFFFF  }
0x94: {  	p0 =	sne.s32 s1, $0x0;
	_ =	strace $0x9000004D  }
0x95: {  	s0 =	sadd.s32 @!p0 $0x100000, s0;
	[bflag:$0x2] =	sbarrier.arrive $0xFFFF  }
0x96: {  	[sflag:s0] =	ssyncadd.tile.s32 @!p0 $0x1;
	_ =	shalt  }
.Lfunc_end2:
_tile_overlayer_lowered:
.L_overlay_start_2:
0x97: {  	(tag) =	ssettag $0x2  }
0x98: {  	s0 =	rddreg [dreg:$0x0];
	s2 =	stileid.u32  }
0x99: {  	s1 =	rddreg [dreg:$0x1];
	p0 =	sne.s32 s2, $0x0  }
0x9a: {  	s3 =	rddreg [dreg:$0x2];
	[bflag:$0x3] =	sbarrier.arrive $0xFFFF;
	s2 =	simm.s32 @!p0 $0x1C03  }
0x9b: {  	[timem:s3], [sflag:s2] =	dma.local @!p0 [hbm:s0], s1  }
0x9c: {  	s0 =	simm.s32 @!p0 $0x3  }
0x9d: {  	_ =	swait.ge @!p0 [sflag:s0], s1  }
0x9e: {  	s1 =	ssub.s32 @!p0 $0x0, s1;
	[sflag:s0] =	ssyncset.done @!p0 $0x0  }
0x9f: {  	[sflag:s0] =	ssyncadd.s32 @!p0 s1  }
0xa0: {  	[bflag:$0x3] =	sbarrier.arrive $0xFFFF  }
0xa1: {  	_ =	shalt  }

// kernel: kernel.9.cloned.1.call-start
scs
__scs_entry_jumppad:
0x0: {  	(pc) =	sbr.rel $0x88, $3  }
0x1: {  	(tag) =	ssettag $0x0;
	lr =	simm.s32 $0x1  }
0x2: {  	[smem:$0x3F9B] =	sst lr;
	_ =	strace $0xD0000000  }
0x3: {  	_ = 	snop  }
0x4: {  	_ = 	snop  }
0x5: {  	_ = 	snop  }
0x6: {  	_ = 	snop  }
0x7: {  	_ = 	snop  }
__scs_overlays_trampoline_lowered:
0x8: {  	[smem:$0x3FAA] =	sst s0  }
0x9: {  	[smem:$0x3FAB] =	sst s1  }
0xa: {  	[smem:$0x3FAC] =	sst s2  }
0xb: {  	[smem:$0x3FAD] =	sst s3  }
0xc: {  	[smem:$0x3FAE] =	sst s4  }
0xd: {  	[smem:$0x3FAF] =	sst s5  }
0xe: {  	[smem:$0x3FB0] =	sst s6  }
0xf: {  	[smem:$0x3FB1] =	sst s7  }
0x10: {  	[smem:$0x3FB2] =	sst s8  }
0x11: {  	[smem:$0x3FB3] =	sst s9;
	s0 =	simm.s32 @!p0 $0x0  }
0x12: {  	s1 =	sld [smem:$0x3F99];
	s0 =	simm.s32 @p0 $0x1  }
0x13: {  	[smem:$0x3FB4] =	sst s0;
	s0 =	simm.s32 @!p1 $0x0  }
0x14: {  	s2 =	sld [smem:$0x3F98];
	s0 =	simm.s32 @p1 $0x1  }
0x15: {  	[smem:$0x3FB5] =	sst s0;
	s0 =	simm.s32 @!p2 $0x0  }
0x16: {  	s3 =	sld [smem:$0x3FDB];
	s0 =	simm.s32 @p2 $0x1  }
0x17: {  	s4 =	simm.s32 $0x1BF5;
	[smem:$0x3FB7] =	sst s0  }
0x18: {  	s0 =	sld [smem:$0x3F9A];
	_ =	swait.ge [sflag:s4], $0x0  }
0x19: {  	s7 =	sld [smem:$0x3F9B]  }
0x1a: {  	s8 =	sadd.s32 $0xFFFFE003, lr  }
0x1b: {  	s9 =	sadd.s32 $0xFFFFFEF7, lr;
	s5 =	simm.s32 $0xFFFFFFFF;
	p2 =	slt.u32 s8, $0xFFFFF086  }
0x1c: {  	p1 =	slt.u32 s9, $0xF7A;
	s5 =	simm.s32 @!p2 $0x0  }
0x1d: {  	s5 =	simm.s32 @p1 $0x1;
	p0 =	seq.s32 s7, s2  }
0x1e: {  	s7 =	smul.u32 @!p0 $0xF7A, s2;
	p2 =	seq.s32 @!p0 s5, $0x0  }
0x1f: {  	s9 =	smul.u32 $0xF7A, s1;
	s8 =	simm.s32 @!p0 $0x1BF5;
	p2 =	por !p2, p0  }
0x20: {  	[sflag:s8] =	ssyncset.s32 @!p0 $0xFFFFF086;
	s6 =	sadd.s32 @!p0 s3, s7;
	s7 =	simm.s32 @!p0 $0x108  }
0x21: {  	s3 =	sadd.s32 s3, s9;
	s6 =	sadd.s32 @!p0 $0x88, s6;
	s7 =	simm.s32 @p2 $0x1082  }
0x22: {  	[simem:s7], [sflag:s8] =	dma.local @!p0 [hbm:s6], $0xF7A  }
0x23: {  	s9 =	sor.u32 $0xD0000000, s2;
	s6 =	simm.s32 $0x108;
	_ =	swait.ge @!p0 [sflag:s8], $0x0  }
0x24: {  	s3 =	sadd.s32 $0x88, s3;
	s6 =	simm.s32 @!p1 $0x1082;
	[sflag:s4] =	ssyncset.s32 $0xFFFFF086  }
0x25: {  	[simem:s6], [sflag:s4] =	dma.local [hbm:s3], $0xF7A  }
0x26: {  	[smem:$0x3F9B] =	sst s1;
	(tag) =	ssettag s2;
	_ =	strace s9  }
0x27: {  	s1 =	sld [smem:$0x3FAB]  }
0x28: {  	s2 =	sld [smem:$0x3FAC]  }
0x29: {  	s4 =	sld [smem:$0x3FAE]  }
0x2a: {  	p0 =	seq.s32 s5, $0x0;
	s5 =	sld [smem:$0x3FAF]  }
0x2b: {  	s6 =	sld [smem:$0x3FB0]  }
0x2c: {  	s7 =	sld [smem:$0x3FB1]  }
0x2d: {  	s3 =	simm.s32 $0x108;
	s8 =	sld [smem:$0x3FB2]  }
0x2e: {  	s3 =	simm.s32 @!p0 $0x1082;
	s9 =	sld [smem:$0x3FB3]  }
0x2f: {  	lr =	sadd.s32 s0, s3;
	s0 =	sld [smem:$0x3FAA]  }
0x30: {  	s3 =	sld [smem:$0x3FAD]  }
0x31: {  	[smem:$0x3FB6] =	sst s10  }
0x32: {  	s10 =	sld [smem:$0x3FB4];
	_ =	sdelay $0x3  }
0x33: {  	p0 =	seq.s32 s10, $0x1;
	s10 =	sld [smem:$0x3FB6];
	_ =	sdelay $0x3  }
0x34: {  	[smem:$0x3FB6] =	sst s10  }
0x35: {  	s10 =	sld [smem:$0x3FB5];
	_ =	sdelay $0x3  }
0x36: {  	p1 =	seq.s32 s10, $0x1;
	s10 =	sld [smem:$0x3FB6];
	_ =	sdelay $0x3  }
0x37: {  	[smem:$0x3FB6] =	sst s10  }
0x38: {  	s10 =	sld [smem:$0x3FB7]  }
0x39: {  	_ = 	snop;
	(pc) =	sbr.ind lr, $3  }
0x3a: {  	_ = 	snop  }
0x3b: {  	_ = 	snop  }
0x3c: {  	p2 =	seq.s32 s10, $0x1;
	s10 =	sld [smem:$0x3FB6]  }
0x3d: {  	_ =	shalt  }
0x3e: {  	_ =	shalt  }
0x3f: {  	_ =	shalt  }
0x40: {  	_ =	shalt  }
0x41: {  	_ =	shalt  }
0x42: {  	_ =	shalt  }
0x43: {  	_ =	shalt  }
0x44: {  	_ =	shalt  }
0x45: {  	_ =	shalt  }
0x46: {  	_ =	shalt  }
0x47: {  	_ =	shalt  }
0x48: {  	_ =	shalt  }
0x49: {  	_ =	shalt  }
0x4a: {  	_ =	shalt  }
0x4b: {  	_ =	shalt  }
0x4c: {  	_ =	shalt  }
0x4d: {  	_ =	shalt  }
0x4e: {  	_ =	shalt  }
0x4f: {  	_ =	shalt  }
0x50: {  	_ =	shalt  }
0x51: {  	_ =	shalt  }
0x52: {  	_ =	shalt  }
0x53: {  	_ =	shalt  }
0x54: {  	_ =	shalt  }
0x55: {  	_ =	shalt  }
0x56: {  	_ =	shalt  }
0x57: {  	_ =	shalt  }
0x58: {  	_ =	shalt  }
0x59: {  	_ =	shalt  }
0x5a: {  	_ =	shalt  }
0x5b: {  	_ =	shalt  }
0x5c: {  	_ =	shalt  }
0x5d: {  	_ =	shalt  }
0x5e: {  	_ =	shalt  }
0x5f: {  	_ =	shalt  }
0x60: {  	_ =	shalt  }
0x61: {  	_ =	shalt  }
0x62: {  	_ =	shalt  }
0x63: {  	_ =	shalt  }
0x64: {  	_ =	shalt  }
0x65: {  	_ =	shalt  }
0x66: {  	_ =	shalt  }
0x67: {  	_ =	shalt  }
0x68: {  	_ =	shalt  }
0x69: {  	_ =	shalt  }
0x6a: {  	_ =	shalt  }
0x6b: {  	_ =	shalt  }
0x6c: {  	_ =	shalt  }
0x6d: {  	_ =	shalt  }
0x6e: {  	_ =	shalt  }
0x6f: {  	_ =	shalt  }
0x70: {  	_ =	shalt  }
0x71: {  	_ =	shalt  }
0x72: {  	_ =	shalt  }
0x73: {  	_ =	shalt  }
0x74: {  	_ =	shalt  }
0x75: {  	_ =	shalt  }
0x76: {  	_ =	shalt  }
0x77: {  	_ =	shalt  }
0x78: {  	_ =	shalt  }
0x79: {  	_ =	shalt  }
0x7a: {  	_ =	shalt  }
0x7b: {  	_ =	shalt  }
0x7c: {  	_ =	shalt  }
0x7d: {  	_ =	shalt  }
0x7e: {  	_ =	shalt  }
0x7f: {  	_ =	shalt  }
0x80: {  	_ =	shalt  }
0x81: {  	_ =	shalt  }
0x82: {  	_ =	shalt  }
0x83: {  	_ =	shalt  }
0x84: {  	_ =	shalt  }
0x85: {  	_ =	shalt  }
0x86: {  	_ =	shalt  }
0x87: {  	_ =	shalt  }
.Lfunc_end0:
.L_simem_size_0:
called_computation_lowered:
.L_overlay_start_0:
0x88: {  	s2 =	sld [smem:$0x3FD9]  }
0x89: {  	s3 =	sld [smem:$0x3FFE];
	_ =	sdelay $0x1  }
0x8a: {  	s1 =	srdreg.scid  }
0x8b: {  	s0 =	sand.u32 $0x1, s1  }
0x8c: {  	s16 =	sshll.u32 s0, $0xA;
	s2 =	sadd.s32 s3, s2  }
0x8d: {  	s2 =	sadd.s32 s2, s16  }
0x8e: {  	[smem:$0x3FC2] =	sst s2  }
0x8f: {  	_ = 	snop  }
0x90: {  	(tm) =	ssettm $0x1  }
0x91: {  	s17 =	sld [smem:$0x3FFB];
	_ =	sdelay $0x3  }
0x92: {  	_ =	strace s17  }
0x93: {  	s2 =	sld [smem:$0x3FFC];
	_ =	sdelay $0x3  }
0x94: {  	_ =	strace s2  }
0x95: {  	s2 =	sld [smem:$0x3FFD];
	_ =	sdelay $0x3  }
0x96: {  	_ =	strace s2  }
0x97: {  	_ =	strace $0x8FFFFFFF  }
0x98: {  	s18 =	sld [smem:$0x3FDB];
	_ =	sdelay $0x1  }
0x99: {  	s19 =	simm.s32 $_scs_section_size  }
0x9a: {  	s4 =	simm.s32 $_size__tile_overlayer_lowered;
	s5 =	simm.s32 $_tile_overlayer_lowered  }
0x9b: {  	s22 =	simm.s32 $0x1BFF;
	s21 =	sshll.u32 s5, $0x1;
	s2 =	sadd.s32 s19, s18  }
0x9c: {  	s6 =	simm.s32 $0x0;
	s20 =	sshll.u32 s4, $0x1;
	s4 =	sadd.s32 s21, s2  }
0x9d: {  	[timem:s6], [sflag:s22] =	dma.local [hbm:s4], s20  }
0x9e: {  	_ =	swait.ge [sflag:s22], s20  }
0x9f: {  	s3 =	ssub.s32 $0x0, s20;
	[sflag:s22] =	ssyncset.done $0x0  }
0xa0: {  	[sflag:s22] =	ssyncadd.s32 s3;
	_ =	sdelay $0x1  }
0xa1: {  	s23 =	simm.s32 $0x1B8B  }
0xa2: {  	_ =	swait.ge [sflag:s23], $0x1  }
0xa3: {  	[sflag:s23] =	ssyncset.done $0x0  }
0xa4: {  	s25 =	simm.s32 $0x1B8E;
	s24 =	sld [smem:$0x3FFE];
	[sflag:s23] =	ssyncadd.s32 $0xFFFFFFFF  }
0xa5: {  	s26 =	simm.s32 $execute0_lowered;
	[smem:$0x3FD2] =	sst s25  }
0xa6: {  	s4 =	sshll.u32 s26, $0x1;
	_ =	strace $0x80000046;
	[dreg:$0x1] =	wrdreg $0xFFFFFFFF  }
0xa7: {  	s28 =	simm.s32 $_size_execute0_lowered;
	s2 =	sadd.s32 s2, s4;
	[dreg:$0x0] =	wrdreg $0x0  }
0xa8: {  	s4 =	sshll.u32 s28, $0x1;
	[dreg:$0x2] =	wrdreg s2  }
0xa9: {  	[dreg:$0x3] =	wrdreg s4  }
0xaa: {  	[dreg:$0x4] =	wrdreg $0xC0  }
0xab: {  	_ =	task [dreg:s6], $0x5FFFF  }
0xac: {  	[dreg:$0x1] =	wrdreg $0xFFFFFFFF  }
0xad: {  	[dreg:$0x0] =	wrdreg $0x60  }
0xae: {  	[dreg:$0x2] =	wrdreg s24  }
0xaf: {  	[dreg:$0x3] =	wrdreg $0x68000  }
0xb0: {  	[dreg:$0x4] =	wrdreg $0x9  }
0xb1: {  	_ =	task.clear_ibuf [dreg:s6], $0x5FFFF;
	_ =	strace $0x90000046  }
0xb2: {  	s29 =	simm.s32 $0x9;
	_ =	strace $0x80000048  }
0xb3: {  	_ =	swait.ge [sflag:s29], $0x1  }
0xb4: {  	[sflag:s29] =	ssyncadd.s32 $0xFFFFFFFF  }
0xb5: {  	_ =	strace $0x90000048  }
0xb6: {  	_ =	sfence  }
0xb7: {  	s30 =	sld [smem:$0x0];
	_ =	sdelay $0x2  }
0xb8: {  	s31 =	sshll.u32 s1, $0xD;
	s1 =	sshrl.u32 s1, $0x2  }
0xb9: {  	s3 =	sand.u32 $0x4000, s31;
	s1 =	sadd.s32 s1, s30  }
0xba: {  	s0 =	sor.u32 s3, s0;
	s1 =	sshll.u32 s1, $0x11  }
0xbb: {  	s0 =	sor.u32 s1, s0  }
0xbc: {  	s0 =	sadd.s32 $0x8F2B, s0  }
0xbd: {  	[sflag:s0] =	ssyncadd.remote.s32 $0x1  }
0xbe: {  	_ =	sfence.sel $0xFFFF  }
0xbf: {  	[dreg:$0x0] =	wrdreg $0xFFFFFFFF;
	(pc) =	sbr.abs _section_cstart, $3  }
0xc0: {  	[dreg:$0x1] =	wrdreg $0xFFFFFFFF  }
0xc1: {  	_ =	task.clear_ibuf [dreg:s6], $0x2FFFF;
	_ =	strace $0x9FFFFFFF  }
0xc2: {  	(tm) =	ssettm $0x7FFFFFFF  }
0xc3: {  	_ =	shalt  }
tec
execute0_lowered:
.L_overlay_start_1:
0x0: {  	(tag) =	ssettag $0x1  }
0x1: {  	s5 =	rddreg [dreg:$0x0]  }
0x2: {  	s0 =	srdreg.scid;
	s2 =	rddreg [dreg:$0x1];
	s3 =	simm.s32 $0x0  }
0x3: {  	s12 =	simm.s32 $0x2800;
	s4 =	sand.u32 $0x1, s0;
	s0 =	stileid.u32  }
0x4: {  	s13 =	simm.s32 $0x0;
	[smem:$0x7FF] =	sst s3;
	s7 =	smul.u32 $0x13C00, s0  }
0x5: {  	s1 =	sshll.u32 s4, $0x4;
	s8 =	smul.u32 $0x13C000, s4;
	s4 =	ssub.s32 $0x2, s4  }
0x6: {  	s29 =	smul.u32 $0x4F000, s0;
	s31 =	sshll.u32 s0, $0x6;
	s1 =	sor.u32 s0, s1  }
0x7: {  	s10 =	sshrl.u32 s4, $0x1;
	s6 =	smul.u32 $0x500, s1;
	s1 =	rddreg [dreg:$0x2]  }
0x8: {  	_ =	strace $0x80000047;
	s9 =	sshrl.u32 s7, $0x3;
	s7 =	sadd.s32 s7, s8  }
0x9: {  	s10 =	ssub.s32 s4, s10;
	s30 =	sshrl.u32 s29, $0x2;
	s8 =	simm.s32 $0x1  }
0xa: {  	s9 =	sadd.s32 s9, s5;
	s7 =	sshrl.u32 s7, $0x3;
	s11 =	sadd.s32 s30, s2  }
0xb: {  	s6 =	sadd.s32 s6, s5;
	s7 =	sadd.s32 s7, s5;
	s5 =	sadd.s32 $0x16600, s9  }
0xc: {  	s9 =	sor.u32 $0x1C01, s31;
	s4 =	sadd.s32 $0x2600, s6;
	s6 =	sadd.s32 $0x3DE00, s7  }
0xd: {  	v0 =	vimm.f32 $1.000000000e+00;
	s7 =	smax.u32 s10, $0x1;
	s10 =	sshrl.u32 s11, $0x3;
	s11 =	simm.s32 $0x80  }
.LBB2_1:
0xe: {  	[tilespmem:s3], [sflag:$0x1] =	stream.linear.gather [hbm4b:s4+s3], $0x2800, $0x38;
	[tilespmem:$0x1A400] =	vst v63  }
0xf: {  	s14 =	sand.u32 $0xFE00, s3;
	s15 =	sand.u32 $0x70, s3;
	_ =	swait.ge [sflag:s8], $0x2800  }
0x10: {  	s16 =	sshrl.u32 s14, $0x2;
	s14 =	simm.s32 $0x40;
	[sflag:s8] =	ssyncset.done $0x0  }
0x11: {  	s16 =	sor.u32 s15, s16;
	s15 =	simm.s32 $0x0;
	[sflag:s8] =	ssyncadd.s32 $0xFFFFD800  }
.LBB2_2:
0x12: {  	p0 =	sne.s32 s14, $0xFFC0  }
0x13: {  	[tilespmem:s16+$0x2800] =	vst v0;
	s15 =	sadd.s32 $0x10, s15;
	s16 =	smov.u32 s14;
	s14 =	sadd.s32 $0x40, s14  }
.Ltmp0:
0x14: {  	(pc) =	sbr.rel @p0 .LBB2_2-.Ltmp0, $4  }
0x15: {  	_ = 	snop  }
0x16: {  	s16 =	sand.u32 $0xFE00, s16  }
0x17: {  	s17 =	sand.u32 $0x70, s15;
	s16 =	sshrl.u32 s16, $0x2  }
0x18: {  	s16 =	sor.u32 s17, s16  }
0x19: {  	[tilespmem:s16+$0x2800] =	vst v0  }
0x1a: {  	[spmem:s10], [sflag:s9] =	dma.local [hbm:s5], $0x2780  }
0x1b: {  	_ =	swait.ge [sflag:s8], $0x2780  }
0x1c: {  	[sflag:s8] =	ssyncset.done $0x0  }
0x1d: {  	[sflag:s8] =	ssyncadd.s32 $0xFFFFD880  }
0x1e: {  	s14 =	simm.s32 $0x0;
	[bflag:$0x0] =	sbarrier.arrive $0xFFFF  }
0x1f: {  	[spmem:s2] =	stream.indirect.scatter.add.f32 [tilespmem:s12], [sflag:$0x1], $0x80, s14, s11, $0xb8;
	[tilespmem:$0x1A400] =	vst v63  }
0x20: {  	_ =	swait.ge [sflag:s8], $0x4000  }
0x21: {  	s14 =	simm.s32 $0x200;
	[sflag:s8] =	ssyncset.done $0x0  }
.LBB2_4:
0x22: {  	s15 =	sshra.s32 s14, $0x2;
	[sflag:s8] =	ssyncadd.s32 $0xFFFFC000;
	p0 =	sne.s32 s14, $0x9E00  }
0x23: {  	[spmem:s2] =	stream.indirect.scatter.add.f32 [tilespmem:s12], [sflag:$0x1], $0x80, s15, s11, $0xb8;
	[tilespmem:$0x1A400] =	vst v63  }
.Ltmp1:
0x24: {  	_ = 	snop;
	(pc) =	sbr.rel @p0 .LBB2_4-.Ltmp1, $4  }
0x25: {  	_ = 	snop  }
0x26: {  	s14 =	sadd.s32 $0x200, s14  }
0x27: {  	_ =	swait.ge [sflag:s8], $0x4000  }
0x28: {  	[sflag:s8] =	ssyncset.done $0x0  }
0x29: {  	s13 =	sadd.s32 $0x1, s13  }
0x2a: {  	[sflag:s8] =	ssyncadd.s32 $0xFFFFC000;
	p0 =	sne.s32 s13, s7  }
.Ltmp2:
0x2b: {  	[bflag:$0x0] =	sbarrier.arrive $0xFFFF;
	(pc) =	sbr.rel @p0 .LBB2_1-.Ltmp2, $4  }
0x2c: {  	[hbm:s6], [sflag:s9] =	dma.local [spmem:s10], $0x2780  }
0x2d: {  	_ =	swait.ge [sflag:s8], $0x2780  }
0x2e: {  	[sflag:s8] =	ssyncset.done $0x0  }
0x2f: {  	[sflag:s8] =	ssyncadd.s32 $0xFFFFD880  }
0x30: {  	_ =	sfence.sel $0x180000  }
0x31: {  	[bflag:$0x0] =	sbarrier.arrive $0xFFFF  }
0x32: {  	p0 =	sne.s32 s0, $0x0;
	_ =	strace $0x90000047  }
0x33: {  	s0 =	sadd.s32 @!p0 $0x100000, s1;
	[bflag:$0x2] =	sbarrier.arrive $0xFFFF  }
0x34: {  	[sflag:s0] =	ssyncadd.tile.s32 @!p0 $0x1;
	_ =	shalt  }
.Lfunc_end2:
_tile_overlayer_lowered:
.L_overlay_start_2:
0x35: {  	(tag) =	ssettag $0x2  }
0x36: {  	s0 =	rddreg [dreg:$0x0];
	s2 =	stileid.u32  }
0x37: {  	s1 =	rddreg [dreg:$0x1];
	p0 =	sne.s32 s2, $0x0  }
0x38: {  	s3 =	rddreg [dreg:$0x2];
	[bflag:$0x3] =	sbarrier.arrive $0xFFFF;
	s2 =	simm.s32 @!p0 $0x1C01  }
0x39: {  	[timem:s3], [sflag:s2] =	dma.local @!p0 [hbm:s0], s1  }
0x3a: {  	s0 =	simm.s32 @!p0 $0x1  }
0x3b: {  	_ =	swait.ge @!p0 [sflag:s0], s1  }
0x3c: {  	s1 =	ssub.s32 @!p0 $0x0, s1;
	[sflag:s0] =	ssyncset.done @!p0 $0x0  }
0x3d: {  	[sflag:s0] =	ssyncadd.s32 @!p0 s1  }
0x3e: {  	[bflag:$0x3] =	sbarrier.arrive $0xFFFF  }
0x3f: {  	_ =	shalt  }

</sc_bundles>
